<compile_context>
chip_gen: v7x
topology: tpu7x:2x2x1
jax: 0.10.2.dev20260603
libtpu: 0.0.44.dev20260713+nightly
codegen_flags: <defaults>
</compile_context>

<pallas_src>
import math
import functools

import jax
import jax.numpy as jnp
from jax import lax
from jax.experimental import pallas as pl
from jax.experimental.pallas import tpu as pltpu
from jax.experimental.pallas import tpu_sc as plsc

N, E, DIN, H, C = 10000, 320000, 128, 256, 40
K_PROP, ALPHA, TOPK = 10, 0.1, 70

NP_ = 10240
RPT = 640
DH = 32
EPT = E // 32
ECH = 2000
NCH = EPT // ECH

ROW_BLK = 2000

_mesh = plsc.VectorSubcoreMesh(core_axis_name="c", subcore_axis_name="s")


def _mlp_body(x_ref, w1_ref, b1_ref, w2_ref, b2_ref, w3_ref, b3_ref, out_ref):
    h = jnp.maximum(jnp.dot(x_ref[...], w1_ref[...],
                            preferred_element_type=jnp.float32) + b1_ref[...], 0.0)
    h = jnp.maximum(jnp.dot(h, w2_ref[...],
                            preferred_element_type=jnp.float32) + b2_ref[...], 0.0)
    out_ref[...] = jnp.dot(h, w3_ref[...],
                           preferred_element_type=jnp.float32) + b3_ref[...]


def _mlp(x, W1, b1, W2, b2, W3, b3):
    return pl.pallas_call(
        _mlp_body,
        grid=(N // ROW_BLK,),
        in_specs=[
            pl.BlockSpec((ROW_BLK, DIN), lambda i: (i, 0)),
            pl.BlockSpec((DIN, H), lambda i: (0, 0)),
            pl.BlockSpec((H,), lambda i: (0,)),
            pl.BlockSpec((H, H), lambda i: (0, 0)),
            pl.BlockSpec((H,), lambda i: (0,)),
            pl.BlockSpec((H, C), lambda i: (0, 0)),
            pl.BlockSpec((C,), lambda i: (0,)),
        ],
        out_specs=pl.BlockSpec((ROW_BLK, C), lambda i: (i, 0)),
        out_shape=jax.ShapeDtypeStruct((N, C), jnp.float32),
    )(x, W1, b1, W2, b2, W3, b3)


@functools.partial(
    pl.kernel, mesh=_mesh,
    compiler_params=pltpu.CompilerParams(use_tc_tiling_on_sc=False),
    out_type=jax.ShapeDtypeStruct((2 * NP_,), jnp.float32),
    scratch_types=[
        pltpu.VMEM((ECH,), jnp.int32),
        pltpu.VMEM((ECH,), jnp.float32),
        pltpu.VMEM((RPT,), jnp.float32),
        pltpu.VMEM_SHARED((NP_,), jnp.float32),
        pltpu.SemaphoreType.DMA,
    ],
)
def _deg_kernel(dst_hbm, deg_out, ibuf, onebuf, zbuf, acc, sem):
    cc = lax.axis_index("c")
    ss = lax.axis_index("s")
    wid = cc * 16 + ss

    def _fill(i, _):
        onebuf[pl.ds(i * 16, 16)] = jnp.full((16,), 1.0, jnp.float32)
        return 0
    lax.fori_loop(0, ECH // 16, _fill, 0)

    def _fillz(i, _):
        zbuf[pl.ds(i * 16, 16)] = jnp.zeros((16,), jnp.float32)
        return 0
    lax.fori_loop(0, RPT // 16, _fillz, 0)

    pltpu.sync_copy(zbuf, acc.at[pl.ds(ss * RPT, RPT)])
    plsc.subcore_barrier()

    def _chunk(k, _):
        base = wid * (E // 32) + k * ECH
        pltpu.sync_copy(dst_hbm.at[pl.ds(base, ECH)], ibuf)
        pltpu.sync_copy(onebuf, acc.at[ibuf], add=True)
        return 0
    lax.fori_loop(0, (E // 32) // ECH, _chunk, 0)
    plsc.subcore_barrier()

    pltpu.sync_copy(acc.at[pl.ds(ss * RPT, RPT)],
                    deg_out.at[pl.ds(cc * NP_ + ss * RPT, RPT)])


@functools.partial(
    pl.kernel, mesh=_mesh,
    compiler_params=pltpu.CompilerParams(use_tc_tiling_on_sc=False),
    out_type=(jax.ShapeDtypeStruct((2 * NP_, DH), jnp.float32),
              jax.ShapeDtypeStruct((2 * NP_, DH), jnp.float32)),
    scratch_types=[
        pltpu.VMEM((ECH,), jnp.int32),
        pltpu.VMEM((ECH,), jnp.int32),
        pltpu.VMEM((ECH, DH), jnp.float32),
        pltpu.VMEM((RPT, DH), jnp.float32),
        pltpu.VMEM((RPT, DH), jnp.float32),
        pltpu.VMEM_SHARED((NP_, DH), jnp.float32),
        pltpu.SemaphoreType.DMA,
    ],
)
def _prop_kernel(src_hbm, dst_hbm, uinit_hbm, a_hbm, c0_hbm,
                 u_hbm, s_out,
                 sbuf, dbuf, buf, abuf, cbuf, S, sem):
    cc = lax.axis_index("c")
    ss = lax.axis_index("s")
    row0 = cc * NP_ + ss * RPT
    srow = ss * RPT

    pltpu.sync_copy(a_hbm.at[pl.ds(row0, RPT)], abuf)
    pltpu.sync_copy(c0_hbm.at[pl.ds(row0, RPT)], cbuf)

    def _zero_buf(i, _):
        buf[i, pl.ds(0, 16)] = jnp.zeros((16,), jnp.float32)
        buf[i, pl.ds(16, 16)] = jnp.zeros((16,), jnp.float32)
        return 0

    pltpu.sync_copy(uinit_hbm.at[pl.ds(row0, RPT)], buf.at[pl.ds(0, RPT)])
    pltpu.sync_copy(buf.at[pl.ds(0, RPT)], u_hbm.at[pl.ds(row0, RPT)])
    lax.fori_loop(0, RPT, _zero_buf, 0)
    pltpu.sync_copy(buf.at[pl.ds(0, RPT)], S.at[pl.ds(srow, RPT)])
    plsc.subcore_barrier()

    ubase = cc * NP_

    def _scatter_phase():
        def _chunk(k, _):
            ebase = (ss * EPT) + k * ECH
            pltpu.sync_copy(src_hbm.at[pl.ds(ebase, ECH)], sbuf)
            pltpu.sync_copy(dst_hbm.at[pl.ds(ebase, ECH)], dbuf)

            def _off(i, _):
                sl = pl.ds(i * 16, 16)
                sbuf[sl] = sbuf[sl] + ubase
                return 0
            lax.fori_loop(0, ECH // 16, _off, 0)

            pltpu.async_copy(u_hbm.at[sbuf], buf, sem).wait()
            pltpu.sync_copy(buf, S.at[dbuf], add=True)
            return 0
        lax.fori_loop(0, NCH, _chunk, 0)
        plsc.subcore_barrier()

    def _iter(_k, carry):
        _scatter_phase()
        pltpu.sync_copy(S.at[pl.ds(srow, RPT)], buf.at[pl.ds(0, RPT)])

        def _upd(i, _):
            for h in (0, 16):
                sl = pl.ds(h, 16)
                buf[i, sl] = abuf[i, sl] * buf[i, sl] + cbuf[i, sl]
            return 0
        lax.fori_loop(0, RPT, _upd, 0)

        pltpu.sync_copy(buf.at[pl.ds(0, RPT)], u_hbm.at[pl.ds(row0, RPT)])
        lax.fori_loop(0, RPT, _zero_buf, 0)
        pltpu.sync_copy(buf.at[pl.ds(0, RPT)], S.at[pl.ds(srow, RPT)])
        plsc.subcore_barrier()
        return carry

    lax.fori_loop(0, K_PROP - 1, _iter, 0)
    _scatter_phase()
    pltpu.sync_copy(S.at[pl.ds(srow, RPT)], s_out.at[pl.ds(row0, RPT)])


def _prep_body(deg_ref, out_ref, dinv_ref, a_ref, c0_ref, uinit_ref):
    deg = deg_ref[0, :] + deg_ref[1, :]
    dinv = lax.rsqrt(jnp.clip(deg, 1.0, None))
    dinv_ref[...] = dinv[:, None]
    a2 = (1.0 - ALPHA) * dinv * dinv
    a_ref[0, :, :] = a2[:, None] * jnp.ones((1, DH), jnp.float32)
    a_ref[1, :, :] = a2[:, None] * jnp.ones((1, DH), jnp.float32)
    c0 = ALPHA * dinv[:, None] * out_ref[...]
    c0_ref[0, :, :] = c0[:, :DH]
    c0_ref[1, :, :] = c0[:, DH:]
    uinit_ref[0, :, :] = (1.0 / ALPHA) * c0[:, :DH]
    uinit_ref[1, :, :] = (1.0 / ALPHA) * c0[:, DH:]


def _prep(deg2, out_pad):
    return pl.pallas_call(
        _prep_body,
        out_shape=(
            jax.ShapeDtypeStruct((NP_, 1), jnp.float32),
            jax.ShapeDtypeStruct((2, NP_, DH), jnp.float32),
            jax.ShapeDtypeStruct((2, NP_, DH), jnp.float32),
            jax.ShapeDtypeStruct((2, NP_, DH), jnp.float32),
        ),
    )(deg2, out_pad)


def _fin_body(s40_ref, out_ref, dinv_ref, res_ref):
    z = (1.0 - ALPHA) * dinv_ref[...] * s40_ref[...] + ALPHA * out_ref[...]
    m = jnp.max(z, axis=1, keepdims=True)
    zs = z - m
    res_ref[...] = zs - jnp.log(jnp.sum(jnp.exp(zs), axis=1, keepdims=True))


def _finish(s40, out, dinv):
    return pl.pallas_call(
        _fin_body,
        grid=(N // ROW_BLK,),
        in_specs=[
            pl.BlockSpec((ROW_BLK, C), lambda i: (i, 0)),
            pl.BlockSpec((ROW_BLK, C), lambda i: (i, 0)),
            pl.BlockSpec((ROW_BLK, 1), lambda i: (i, 0)),
        ],
        out_specs=pl.BlockSpec((ROW_BLK, C), lambda i: (i, 0)),
        out_shape=jax.ShapeDtypeStruct((N, C), jnp.float32),
    )(s40, out, dinv)


def kernel(x, edge_index, f, train_mask, y, W1, b1, W2, b2, W3, b3):
    out = _mlp(x, W1, b1, W2, b2, W3, b3)

    src = edge_index[0]
    dst = edge_index[1]

    deg2 = _deg_kernel(dst).reshape(2, NP_)
    out_pad = jnp.pad(out, ((0, NP_ - N), (0, 2 * DH - C)))
    dinv, a_arr, c0_arr, uinit = _prep(deg2, out_pad)

    _uw, s_out = _prop_kernel(src, dst,
                              uinit.reshape(2 * NP_, DH),
                              a_arr.reshape(2 * NP_, DH),
                              c0_arr.reshape(2 * NP_, DH))
    s_out = s_out.reshape(2, NP_, DH)
    s40 = jnp.concatenate([s_out[0, :N, :], s_out[1, :N, :C - DH]], axis=1)
    res = _finish(s40, out, dinv[:N, :])

    label = f
    num_class = label.shape[1]
    total_weight = jnp.where(train_mask, 1.0, 0.0).astype(jnp.float32)
    ent_w = 1.0 - jnp.sum(-label * jnp.log(jnp.clip(label, 1e-8, None)),
                          axis=1) / math.log(num_class)
    idx = jnp.argmax(label, axis=1)
    for i in range(num_class):
        w = jnp.where(idx == i, ent_w, 0.0)
        w = jnp.where(train_mask, 0.0, w)
        vals, inds = jax.lax.top_k(w, TOPK)
        total_weight = total_weight.at[inds].set(vals)
    sm = jax.nn.softmax(out, axis=-1)
    diff = f - sm
    loss1 = jnp.sum(total_weight * jnp.sum(diff * diff, axis=1))

    return (res, loss1)

# --- scband reference (transcript-rebuilt; emitter-appended) ---
"""Pipeline reference for scband-appnp1-26225070309441 (READ-ONLY COPY).

The authoritative reference and input builder live on the scoring server;
editing this copy changes nothing except your own understanding.
"""

import jax, jax.numpy as jnp
import numpy as np
import math

N, E, DIN, H, C = 10000, 320000, 128, 256, 40
K_PROP, ALPHA, TOPK = 10, 0.1, 70


def setup_inputs(seed: int = 0) -> dict:
    key = jax.random.key(seed)
    ks = jax.random.split(key, 12)
    x = jax.random.normal(ks[0], (N, DIN), dtype=jnp.float32)
    edge_index = jax.random.randint(ks[1], (2, E), 0, N, dtype=jnp.int32)
    # data.f is a detached softmax output in the original module
    f = jax.nn.softmax(jax.random.normal(ks[2], (N, C), dtype=jnp.float32), axis=-1)
    train_mask = jax.random.uniform(ks[3], (N,)) < 0.1
    y = jax.random.randint(ks[4], (N,), 0, C, dtype=jnp.int32)
    W1 = jax.random.normal(ks[5], (DIN, H), dtype=jnp.float32) / math.sqrt(DIN)
    b1 = jnp.zeros((H,), dtype=jnp.float32)
    W2 = jax.random.normal(ks[6], (H, H), dtype=jnp.float32) / math.sqrt(H)
    b2 = jnp.zeros((H,), dtype=jnp.float32)
    W3 = jax.random.normal(ks[7], (H, C), dtype=jnp.float32) / math.sqrt(H)
    b3 = jnp.zeros((C,), dtype=jnp.float32)
    return {"x": x, "edge_index": edge_index, "f": f, "train_mask": train_mask,
            "y": y, "W1": W1, "b1": b1, "W2": W2, "b2": b2, "W3": W3, "b3": b3}


def _appnp(x0, edge_index, n_nodes):
    src, dst = edge_index[0], edge_index[1]
    deg = jnp.zeros((n_nodes,), dtype=jnp.float32).at[dst].add(1.0)
    dinv = 1.0 / jnp.sqrt(jnp.clip(deg, 1.0, None))
    norm = dinv[src] * dinv[dst]
    z = x0
    for _ in range(K_PROP):
        msg = z[src] * norm[:, None]
        agg = jax.ops.segment_sum(msg, dst, num_segments=n_nodes)
        z = (1.0 - ALPHA) * agg + ALPHA * x0
    return z


def reference(x, edge_index, f, train_mask, y, W1, b1, W2, b2, W3, b3):
    # MLP (dropout is identity in eval; BatchNorms are created but unused in forward)
    h = jax.nn.relu(x @ W1 + b1)
    h = jax.nn.relu(h @ W2 + b2)
    out = h @ W3 + b3
    label = f
    num_class = label.shape[1]  # == y.max()+1 in the original data
    total_weight = jnp.where(train_mask, 1.0, 0.0).astype(jnp.float32)
    ent_w = 1.0 - jnp.sum(-label * jnp.log(jnp.clip(label, 1e-8, None)), axis=1) / math.log(num_class)
    idx = jnp.argmax(label, axis=1)
    for i in range(num_class):
        w = jnp.where(idx == i, ent_w, 0.0)
        w = jnp.where(train_mask, 0.0, w)
        vals, inds = jax.lax.top_k(w, TOPK)
        total_weight = total_weight.at[inds].set(vals)
    sm = jax.nn.softmax(out, axis=-1)
    diff = f - sm
    loss1 = jnp.sum(total_weight * jnp.sum(diff * diff, axis=1))
    z = _appnp(out, edge_index, x.shape[0])
    return (jax.nn.log_softmax(z, axis=1), loss1)

if __name__ == "__main__":
    import jax
    _d = setup_inputs()
    print(jax.jit(kernel)(*tuple(_d.values())))

</pallas_src>

<mosaic_0001>
#map = affine_map<(d0, d1) -> (0)>
#map1 = affine_map<(d0, d1) -> (0, 0)>
module attributes {stable_mosaic.version = 14 : i64} {
  func.func @_prop_kernel(%arg0: i32, %arg1: i32, %arg2: memref<320000xi32, #tpu.memory_space<hbm>>, %arg3: memref<320000xi32, #tpu.memory_space<hbm>>, %arg4: memref<20480x32xf32, #tpu.memory_space<hbm>>, %arg5: memref<20480x32xf32, #tpu.memory_space<hbm>>, %arg6: memref<20480x32xf32, #tpu.memory_space<hbm>>, %arg7: memref<20480x32xf32, #tpu.memory_space<hbm>>, %arg8: memref<20480x32xf32, #tpu.memory_space<hbm>>, %arg9: memref<2000xi32, #tpu.memory_space<vmem>>, %arg10: memref<2000xi32, #tpu.memory_space<vmem>>, %arg11: memref<2000x32xf32, #tpu.memory_space<vmem>>, %arg12: memref<640x32xf32, #tpu.memory_space<vmem>>, %arg13: memref<640x32xf32, #tpu.memory_space<vmem>>, %arg14: memref<10240x32xf32, #tpu.memory_space<vmem_shared>>, %arg15: memref<!tpu.dma_semaphore, #tpu.memory_space<semaphore_mem>>) attributes {dimension_semantics = [#tpu.dimension_semantics<core_parallel>, #tpu.dimension_semantics<subcore_parallel>], iteration_bounds = array<i64: 2, 16>, scalar_prefetch = 0 : i64, scratch_operands = 7 : i64, tpu.core_type = #tpu.core_type<sc_vector_subcore>, window_params = [{transform_indices = #map}, {transform_indices = #map}, {transform_indices = #map1}, {transform_indices = #map1}, {transform_indices = #map1}, {transform_indices = #map1}, {transform_indices = #map1}]} {
    %mul3A = arith.constant 10240 : i32
    %mul3A_0 = arith.muli %arg0, %mul3A : i32
    %mul3A_1 = arith.constant 640 : i32
    %mul3A_2 = arith.muli %arg1, %mul3A_1 : i32
    %add3A = arith.addi %mul3A_0, %mul3A_2 : i32
    %mul3A_3 = arith.constant 640 : i32
    %mul3A_4 = arith.muli %arg1, %mul3A_3 : i32
    "tpu.region"() ({
      %run_scoped3A = tpu.sem_alloc : memref<!tpu.dma_semaphore, #tpu.memory_space<semaphore_mem>>
      %dma_start3A = arith.constant 0 : i32
      %dma_start3A_27 = tpu.memref_slice %arg5[%add3A, %dma_start3A] : memref<20480x32xf32, #tpu.memory_space<hbm>> -> memref<640x32xf32, #tpu.memory_space<hbm>>
      %dma_start3A_28 = arith.constant 0 : i32
      %dma_start3A_29 = tpu.memref_slice %arg5[%add3A, %dma_start3A_28] : memref<20480x32xf32, #tpu.memory_space<hbm>> -> memref<640x32xf32, #tpu.memory_space<hbm>>
      tpu.enqueue_dma source(%dma_start3A_29 : memref<640x32xf32, #tpu.memory_space<hbm>>) target(%arg12 : memref<640x32xf32, #tpu.memory_space<vmem>>) target_semaphore(%run_scoped3A : memref<!tpu.dma_semaphore, #tpu.memory_space<semaphore_mem>>)
      %dma_wait3A = arith.constant 0 : i32
      %dma_wait3A_30 = tpu.memref_slice %arg5[%add3A, %dma_wait3A] : memref<20480x32xf32, #tpu.memory_space<hbm>> -> memref<640x32xf32, #tpu.memory_space<hbm>>
      %dma_wait3A_31 = arith.constant 0 : i32
      %dma_wait3A_32 = tpu.memref_slice %arg5[%add3A, %dma_wait3A_31] : memref<20480x32xf32, #tpu.memory_space<hbm>> -> memref<640x32xf32, #tpu.memory_space<hbm>>
      tpu.wait_dma2 semaphore(%run_scoped3A : memref<!tpu.dma_semaphore, #tpu.memory_space<semaphore_mem>>) src(%dma_wait3A_32 : memref<640x32xf32, #tpu.memory_space<hbm>>) dst(%arg12 : memref<640x32xf32, #tpu.memory_space<vmem>>)
      tpu.yield
    }) : () -> ()
    "tpu.region"() ({
      %run_scoped3A = tpu.sem_alloc : memref<!tpu.dma_semaphore, #tpu.memory_space<semaphore_mem>>
      %dma_start3A = arith.constant 0 : i32
      %dma_start3A_27 = tpu.memref_slice %arg6[%add3A, %dma_start3A] : memref<20480x32xf32, #tpu.memory_space<hbm>> -> memref<640x32xf32, #tpu.memory_space<hbm>>
      %dma_start3A_28 = arith.constant 0 : i32
      %dma_start3A_29 = tpu.memref_slice %arg6[%add3A, %dma_start3A_28] : memref<20480x32xf32, #tpu.memory_space<hbm>> -> memref<640x32xf32, #tpu.memory_space<hbm>>
      tpu.enqueue_dma source(%dma_start3A_29 : memref<640x32xf32, #tpu.memory_space<hbm>>) target(%arg13 : memref<640x32xf32, #tpu.memory_space<vmem>>) target_semaphore(%run_scoped3A : memref<!tpu.dma_semaphore, #tpu.memory_space<semaphore_mem>>)
      %dma_wait3A = arith.constant 0 : i32
      %dma_wait3A_30 = tpu.memref_slice %arg6[%add3A, %dma_wait3A] : memref<20480x32xf32, #tpu.memory_space<hbm>> -> memref<640x32xf32, #tpu.memory_space<hbm>>
      %dma_wait3A_31 = arith.constant 0 : i32
      %dma_wait3A_32 = tpu.memref_slice %arg6[%add3A, %dma_wait3A_31] : memref<20480x32xf32, #tpu.memory_space<hbm>> -> memref<640x32xf32, #tpu.memory_space<hbm>>
      tpu.wait_dma2 semaphore(%run_scoped3A : memref<!tpu.dma_semaphore, #tpu.memory_space<semaphore_mem>>) src(%dma_wait3A_32 : memref<640x32xf32, #tpu.memory_space<hbm>>) dst(%arg13 : memref<640x32xf32, #tpu.memory_space<vmem>>)
      tpu.yield
    }) : () -> ()
    "tpu.region"() ({
      %run_scoped3A = tpu.sem_alloc : memref<!tpu.dma_semaphore, #tpu.memory_space<semaphore_mem>>
      %dma_start3A = arith.constant 0 : i32
      %dma_start3A_27 = arith.constant 0 : i32
      %dma_start3A_28 = tpu.memref_slice %arg11[%dma_start3A, %dma_start3A_27] : memref<2000x32xf32, #tpu.memory_space<vmem>> -> memref<640x32xf32, #tpu.memory_space<vmem>>
      %dma_start3A_29 = arith.constant 0 : i32
      %dma_start3A_30 = tpu.memref_slice %arg4[%add3A, %dma_start3A_29] : memref<20480x32xf32, #tpu.memory_space<hbm>> -> memref<640x32xf32, #tpu.memory_space<hbm>>
      %dma_start3A_31 = arith.constant 0 : i32
      %dma_start3A_32 = arith.constant 0 : i32
      %dma_start3A_33 = tpu.memref_slice %arg11[%dma_start3A_31, %dma_start3A_32] : memref<2000x32xf32, #tpu.memory_space<vmem>> -> memref<640x32xf32, #tpu.memory_space<vmem>>
      %dma_start3A_34 = arith.constant 0 : i32
      %dma_start3A_35 = tpu.memref_slice %arg4[%add3A, %dma_start3A_34] : memref<20480x32xf32, #tpu.memory_space<hbm>> -> memref<640x32xf32, #tpu.memory_space<hbm>>
      tpu.enqueue_dma source(%dma_start3A_35 : memref<640x32xf32, #tpu.memory_space<hbm>>) target(%dma_start3A_33 : memref<640x32xf32, #tpu.memory_space<vmem>>) target_semaphore(%run_scoped3A : memref<!tpu.dma_semaphore, #tpu.memory_space<semaphore_mem>>)
      %dma_wait3A = arith.constant 0 : i32
      %dma_wait3A_36 = arith.constant 0 : i32
      %dma_wait3A_37 = tpu.memref_slice %arg11[%dma_wait3A, %dma_wait3A_36] : memref<2000x32xf32, #tpu.memory_space<vmem>> -> memref<640x32xf32, #tpu.memory_space<vmem>>
      %dma_wait3A_38 = arith.constant 0 : i32
      %dma_wait3A_39 = tpu.memref_slice %arg4[%add3A, %dma_wait3A_38] : memref<20480x32xf32, #tpu.memory_space<hbm>> -> memref<640x32xf32, #tpu.memory_space<hbm>>
      %dma_wait3A_40 = arith.constant 0 : i32
      %dma_wait3A_41 = arith.constant 0 : i32
      %dma_wait3A_42 = tpu.memref_slice %arg11[%dma_wait3A_40, %dma_wait3A_41] : memref<2000x32xf32, #tpu.memory_space<vmem>> -> memref<640x32xf32, #tpu.memory_space<vmem>>
      %dma_wait3A_43 = arith.constant 0 : i32
      %dma_wait3A_44 = tpu.memref_slice %arg4[%add3A, %dma_wait3A_43] : memref<20480x32xf32, #tpu.memory_space<hbm>> -> memref<640x32xf32, #tpu.memory_space<hbm>>
      tpu.wait_dma2 semaphore(%run_scoped3A : memref<!tpu.dma_semaphore, #tpu.memory_space<semaphore_mem>>) src(%dma_wait3A_44 : memref<640x32xf32, #tpu.memory_space<hbm>>) dst(%dma_wait3A_42 : memref<640x32xf32, #tpu.memory_space<vmem>>)
      tpu.yield
    }) : () -> ()
    "tpu.region"() ({
      %run_scoped3A = tpu.sem_alloc : memref<!tpu.dma_semaphore, #tpu.memory_space<semaphore_mem>>
      %dma_start3A = arith.constant 0 : i32
      %dma_start3A_27 = arith.constant 0 : i32
      %dma_start3A_28 = tpu.memref_slice %arg11[%dma_start3A, %dma_start3A_27] : memref<2000x32xf32, #tpu.memory_space<vmem>> -> memref<640x32xf32, #tpu.memory_space<vmem>>
      %dma_start3A_29 = arith.constant 0 : i32
      %dma_start3A_30 = tpu.memref_slice %arg7[%add3A, %dma_start3A_29] : memref<20480x32xf32, #tpu.memory_space<hbm>> -> memref<640x32xf32, #tpu.memory_space<hbm>>
      %dma_start3A_31 = arith.constant 0 : i32
      %dma_start3A_32 = tpu.memref_slice %arg7[%add3A, %dma_start3A_31] : memref<20480x32xf32, #tpu.memory_space<hbm>> -> memref<640x32xf32, #tpu.memory_space<hbm>>
      %dma_start3A_33 = arith.constant 0 : i32
      %dma_start3A_34 = arith.constant 0 : i32
      %dma_start3A_35 = tpu.memref_slice %arg11[%dma_start3A_33, %dma_start3A_34] : memref<2000x32xf32, #tpu.memory_space<vmem>> -> memref<640x32xf32, #tpu.memory_space<vmem>>
      tpu.enqueue_dma source(%dma_start3A_35 : memref<640x32xf32, #tpu.memory_space<vmem>>) target(%dma_start3A_32 : memref<640x32xf32, #tpu.memory_space<hbm>>) target_semaphore(%run_scoped3A : memref<!tpu.dma_semaphore, #tpu.memory_space<semaphore_mem>>)
      %dma_wait3A = arith.constant 0 : i32
      %dma_wait3A_36 = arith.constant 0 : i32
      %dma_wait3A_37 = tpu.memref_slice %arg11[%dma_wait3A, %dma_wait3A_36] : memref<2000x32xf32, #tpu.memory_space<vmem>> -> memref<640x32xf32, #tpu.memory_space<vmem>>
      %dma_wait3A_38 = arith.constant 0 : i32
      %dma_wait3A_39 = tpu.memref_slice %arg7[%add3A, %dma_wait3A_38] : memref<20480x32xf32, #tpu.memory_space<hbm>> -> memref<640x32xf32, #tpu.memory_space<hbm>>
      %dma_wait3A_40 = arith.constant 0 : i32
      %dma_wait3A_41 = tpu.memref_slice %arg7[%add3A, %dma_wait3A_40] : memref<20480x32xf32, #tpu.memory_space<hbm>> -> memref<640x32xf32, #tpu.memory_space<hbm>>
      %dma_wait3A_42 = arith.constant 0 : i32
      %dma_wait3A_43 = arith.constant 0 : i32
      %dma_wait3A_44 = tpu.memref_slice %arg11[%dma_wait3A_42, %dma_wait3A_43] : memref<2000x32xf32, #tpu.memory_space<vmem>> -> memref<640x32xf32, #tpu.memory_space<vmem>>
      tpu.wait_dma2 semaphore(%run_scoped3A : memref<!tpu.dma_semaphore, #tpu.memory_space<semaphore_mem>>) src(%dma_wait3A_44 : memref<640x32xf32, #tpu.memory_space<vmem>>) dst(%dma_wait3A_41 : memref<640x32xf32, #tpu.memory_space<hbm>>)
      tpu.yield
    }) : () -> ()
    %scan3A = arith.constant 0 : i32
    %scan3A_5 = arith.constant 0 : i32
    %scan3A_6 = arith.constant 640 : i32
    %scan3A_7 = arith.addi %scan3A_5, %scan3A_6 : i32
    %scan3A_8 = arith.constant 1 : i32
    %scan3A_9 = scf.for %scan3A_27 = %scan3A_5 to %scan3A_7 step %scan3A_8 iter_args(%scan3A_28 = %scan3A) -> (i32)  : i32 {
      %broadcast_in_dim3A = arith.constant 0.000000e+00 : f32
      %broadcast_in_dim3A_29 = vector.broadcast %broadcast_in_dim3A : f32 to vector<16xf32>
      %swap3A = arith.index_cast %scan3A_27 : i32 to index
      %swap3A_30 = arith.constant 0 : index
      %swap3A_31 = tpu.vector_load %arg11[%swap3A, %swap3A_30] {strides = array<i32>} : memref<2000x32xf32, #tpu.memory_space<vmem>>, vector<1x16xf32>,
      %swap3A_32 = vector.shape_cast %swap3A_31 : vector<1x16xf32> to vector<16xf32>
      %swap3A_33 = vector.shape_cast %broadcast_in_dim3A_29 : vector<16xf32> to vector<1x16xf32>
      tpu.vector_store %arg11[%swap3A, %swap3A_30], %swap3A_33 {strides = array<i32>} : memref<2000x32xf32, #tpu.memory_space<vmem>>, vector<1x16xf32>,
      %broadcast_in_dim3A_34 = arith.constant 0.000000e+00 : f32
      %broadcast_in_dim3A_35 = vector.broadcast %broadcast_in_dim3A_34 : f32 to vector<16xf32>
      %swap3A_36 = arith.index_cast %scan3A_27 : i32 to index
      %swap3A_37 = arith.constant 16 : index
      %swap3A_38 = tpu.vector_load %arg11[%swap3A_36, %swap3A_37] {strides = array<i32>} : memref<2000x32xf32, #tpu.memory_space<vmem>>, vector<1x16xf32>,
      %swap3A_39 = vector.shape_cast %swap3A_38 : vector<1x16xf32> to vector<16xf32>
      %swap3A_40 = vector.shape_cast %broadcast_in_dim3A_35 : vector<16xf32> to vector<1x16xf32>
      tpu.vector_store %arg11[%swap3A_36, %swap3A_37], %swap3A_40 {strides = array<i32>} : memref<2000x32xf32, #tpu.memory_space<vmem>>, vector<1x16xf32>,
      %scan3A_41 = arith.constant 0 : i32
      scf.yield %scan3A_41 : i32
    }
    %scan3A_10 = arith.constant 640 : i32
    "tpu.region"() ({
      %run_scoped3A = tpu.sem_alloc : memref<!tpu.dma_semaphore, #tpu.memory_space<semaphore_mem>>
      %dma_start3A = arith.constant 0 : i32
      %dma_start3A_27 = arith.constant 0 : i32
      %dma_start3A_28 = tpu.memref_slice %arg11[%dma_start3A, %dma_start3A_27] : memref<2000x32xf32, #tpu.memory_space<vmem>> -> memref<640x32xf32, #tpu.memory_space<vmem>>
      %dma_start3A_29 = arith.constant 0 : i32
      %dma_start3A_30 = tpu.memref_slice %arg14[%mul3A_4, %dma_start3A_29] : memref<10240x32xf32, #tpu.memory_space<vmem_shared>> -> memref<640x32xf32, #tpu.memory_space<vmem_shared>>
      %dma_start3A_31 = arith.constant 0 : i32
      %dma_start3A_32 = tpu.memref_slice %arg14[%mul3A_4, %dma_start3A_31] : memref<10240x32xf32, #tpu.memory_space<vmem_shared>> -> memref<640x32xf32, #tpu.memory_space<vmem_shared>>
      %dma_start3A_33 = arith.constant 0 : i32
      %dma_start3A_34 = arith.constant 0 : i32
      %dma_start3A_35 = tpu.memref_slice %arg11[%dma_start3A_33, %dma_start3A_34] : memref<2000x32xf32, #tpu.memory_space<vmem>> -> memref<640x32xf32, #tpu.memory_space<vmem>>
      tpu.enqueue_dma source(%dma_start3A_35 : memref<640x32xf32, #tpu.memory_space<vmem>>) target(%dma_start3A_32 : memref<640x32xf32, #tpu.memory_space<vmem_shared>>) target_semaphore(%run_scoped3A : memref<!tpu.dma_semaphore, #tpu.memory_space<semaphore_mem>>)
      %dma_wait3A = arith.constant 0 : i32
      %dma_wait3A_36 = arith.constant 0 : i32
      %dma_wait3A_37 = tpu.memref_slice %arg11[%dma_wait3A, %dma_wait3A_36] : memref<2000x32xf32, #tpu.memory_space<vmem>> -> memref<640x32xf32, #tpu.memory_space<vmem>>
      %dma_wait3A_38 = arith.constant 0 : i32
      %dma_wait3A_39 = tpu.memref_slice %arg14[%mul3A_4, %dma_wait3A_38] : memref<10240x32xf32, #tpu.memory_space<vmem_shared>> -> memref<640x32xf32, #tpu.memory_space<vmem_shared>>
      %dma_wait3A_40 = arith.constant 0 : i32
      %dma_wait3A_41 = tpu.memref_slice %arg14[%mul3A_4, %dma_wait3A_40] : memref<10240x32xf32, #tpu.memory_space<vmem_shared>> -> memref<640x32xf32, #tpu.memory_space<vmem_shared>>
      %dma_wait3A_42 = arith.constant 0 : i32
      %dma_wait3A_43 = arith.constant 0 : i32
      %dma_wait3A_44 = tpu.memref_slice %arg11[%dma_wait3A_42, %dma_wait3A_43] : memref<2000x32xf32, #tpu.memory_space<vmem>> -> memref<640x32xf32, #tpu.memory_space<vmem>>
      tpu.wait_dma2 semaphore(%run_scoped3A : memref<!tpu.dma_semaphore, #tpu.memory_space<semaphore_mem>>) src(%dma_wait3A_44 : memref<640x32xf32, #tpu.memory_space<vmem>>) dst(%dma_wait3A_41 : memref<640x32xf32, #tpu.memory_space<vmem_shared>>)
      tpu.yield
    }) : () -> ()
    %barrier3A = arith.constant 0 : index
    tpu.barrier barrier_id(%barrier3A)
    %mul3A_11 = arith.constant 10240 : i32
    %mul3A_12 = arith.muli %arg0, %mul3A_11 : i32
    %scan3A_13 = arith.constant 0 : i32
    %scan3A_14 = arith.constant 0 : i32
    %scan3A_15 = arith.constant 9 : i32
    %scan3A_16 = arith.addi %scan3A_14, %scan3A_15 : i32
    %scan3A_17 = arith.constant 1 : i32
    scf.for %scan3A_27 = %scan3A_14 to %scan3A_16 step %scan3A_17  : i32 {
      %scan3A_28 = arith.constant 0 : i32
      %scan3A_29 = arith.constant 0 : i32
      %scan3A_30 = arith.constant 5 : i32
      %scan3A_31 = arith.addi %scan3A_29, %scan3A_30 : i32
      %scan3A_32 = arith.constant 1 : i32
      %scan3A_33 = scf.for %scan3A_51 = %scan3A_29 to %scan3A_31 step %scan3A_32 iter_args(%scan3A_52 = %scan3A_28) -> (i32)  : i32 {
        %mul3A_53 = arith.constant 10000 : i32
        %mul3A_54 = arith.muli %arg1, %mul3A_53 : i32
        %mul3A_55 = arith.constant 2000 : i32
        %mul3A_56 = arith.muli %scan3A_51, %mul3A_55 : i32
        %add3A_57 = arith.addi %mul3A_54, %mul3A_56 : i32
        "tpu.region"() ({
          %run_scoped3A = tpu.sem_alloc : memref<!tpu.dma_semaphore, #tpu.memory_space<semaphore_mem>>
          %dma_start3A_70 = tpu.memref_slice %arg2[%add3A_57] : memref<320000xi32, #tpu.memory_space<hbm>> -> memref<2000xi32, #tpu.memory_space<hbm>>
          %dma_start3A_71 = tpu.memref_slice %arg2[%add3A_57] : memref<320000xi32, #tpu.memory_space<hbm>> -> memref<2000xi32, #tpu.memory_space<hbm>>
          tpu.enqueue_dma source(%dma_start3A_71 : memref<2000xi32, #tpu.memory_space<hbm>>) target(%arg9 : memref<2000xi32, #tpu.memory_space<vmem>>) target_semaphore(%run_scoped3A : memref<!tpu.dma_semaphore, #tpu.memory_space<semaphore_mem>>)
          %dma_wait3A_72 = tpu.memref_slice %arg2[%add3A_57] : memref<320000xi32, #tpu.memory_space<hbm>> -> memref<2000xi32, #tpu.memory_space<hbm>>
          %dma_wait3A_73 = tpu.memref_slice %arg2[%add3A_57] : memref<320000xi32, #tpu.memory_space<hbm>> -> memref<2000xi32, #tpu.memory_space<hbm>>
          tpu.wait_dma2 semaphore(%run_scoped3A : memref<!tpu.dma_semaphore, #tpu.memory_space<semaphore_mem>>) src(%dma_wait3A_73 : memref<2000xi32, #tpu.memory_space<hbm>>) dst(%arg9 : memref<2000xi32, #tpu.memory_space<vmem>>)
          tpu.yield
        }) : () -> ()
        "tpu.region"() ({
          %run_scoped3A = tpu.sem_alloc : memref<!tpu.dma_semaphore, #tpu.memory_space<semaphore_mem>>
          %dma_start3A_70 = tpu.memref_slice %arg3[%add3A_57] : memref<320000xi32, #tpu.memory_space<hbm>> -> memref<2000xi32, #tpu.memory_space<hbm>>
          %dma_start3A_71 = tpu.memref_slice %arg3[%add3A_57] : memref<320000xi32, #tpu.memory_space<hbm>> -> memref<2000xi32, #tpu.memory_space<hbm>>
          tpu.enqueue_dma source(%dma_start3A_71 : memref<2000xi32, #tpu.memory_space<hbm>>) target(%arg10 : memref<2000xi32, #tpu.memory_space<vmem>>) target_semaphore(%run_scoped3A : memref<!tpu.dma_semaphore, #tpu.memory_space<semaphore_mem>>)
          %dma_wait3A_72 = tpu.memref_slice %arg3[%add3A_57] : memref<320000xi32, #tpu.memory_space<hbm>> -> memref<2000xi32, #tpu.memory_space<hbm>>
          %dma_wait3A_73 = tpu.memref_slice %arg3[%add3A_57] : memref<320000xi32, #tpu.memory_space<hbm>> -> memref<2000xi32, #tpu.memory_space<hbm>>
          tpu.wait_dma2 semaphore(%run_scoped3A : memref<!tpu.dma_semaphore, #tpu.memory_space<semaphore_mem>>) src(%dma_wait3A_73 : memref<2000xi32, #tpu.memory_space<hbm>>) dst(%arg10 : memref<2000xi32, #tpu.memory_space<vmem>>)
          tpu.yield
        }) : () -> ()
        %scan3A_58 = arith.constant 0 : i32
        %scan3A_59 = arith.constant 0 : i32
        %scan3A_60 = arith.constant 125 : i32
        %scan3A_61 = arith.addi %scan3A_59, %scan3A_60 : i32
        %scan3A_62 = arith.constant 1 : i32
        %scan3A_63 = scf.for %scan3A_70 = %scan3A_59 to %scan3A_61 step %scan3A_62 iter_args(%scan3A_71 = %scan3A_58) -> (i32)  : i32 {
          %mul3A_72 = arith.constant 16 : i32
          %mul3A_73 = arith.muli %scan3A_70, %mul3A_72 : i32
          %get3A = arith.index_cast %mul3A_73 : i32 to index
          %get3A_74 = tpu.vector_load %arg9[%get3A] {strides = array<i32>} : memref<2000xi32, #tpu.memory_space<vmem>>, vector<16xi32>,
          %get3A_75 = vector.shape_cast %get3A_74 : vector<16xi32> to vector<16xi32>
          %add3A_76 = vector.broadcast %mul3A_12 : i32 to vector<16xi32>
          %add3A_77 = arith.addi %get3A_75, %add3A_76 : vector<16xi32>
          %swap3A = arith.index_cast %mul3A_73 : i32 to index
          %swap3A_78 = tpu.vector_load %arg9[%swap3A] {strides = array<i32>} : memref<2000xi32, #tpu.memory_space<vmem>>, vector<16xi32>,
          %swap3A_79 = vector.shape_cast %swap3A_78 : vector<16xi32> to vector<16xi32>
          %swap3A_80 = vector.shape_cast %add3A_77 : vector<16xi32> to vector<16xi32>
          tpu.vector_store %arg9[%swap3A], %swap3A_80 {strides = array<i32>} : memref<2000xi32, #tpu.memory_space<vmem>>, vector<16xi32>,
          %scan3A_81 = arith.constant 0 : i32
          scf.yield %scan3A_81 : i32
        }
        %scan3A_64 = arith.constant 125 : i32
        %dma_start3A = arith.constant 0 : i32
        %dma_start3A_65 = arith.constant 0 : i32
        %dma_start3A_66 = tpu.memref_slice %arg7[%dma_start3A, %dma_start3A_65] : memref<20480x32xf32, #tpu.memory_space<hbm>> -> memref<20480x32xf32, #tpu.memory_space<hbm>>
        tpu.enqueue_indirect_dma source(%dma_start3A_66 : memref<20480x32xf32, #tpu.memory_space<hbm>>) target(%arg11 : memref<2000x32xf32, #tpu.memory_space<vmem>>) offsets(%arg9 : memref<2000xi32, #tpu.memory_space<vmem>>) semaphore(%arg15 : memref<!tpu.dma_semaphore, #tpu.memory_space<semaphore_mem>>)
        %dma_wait3A = arith.constant 0 : i32
        %dma_wait3A_67 = arith.constant 0 : i32
        %dma_wait3A_68 = tpu.memref_slice %arg7[%dma_wait3A, %dma_wait3A_67] : memref<20480x32xf32, #tpu.memory_space<hbm>> -> memref<20480x32xf32, #tpu.memory_space<hbm>>
        tpu.wait_indirect_dma semaphore(%arg15 : memref<!tpu.dma_semaphore, #tpu.memory_space<semaphore_mem>>) src(%dma_wait3A_68 : memref<20480x32xf32, #tpu.memory_space<hbm>>) dst(%arg11 : memref<2000x32xf32, #tpu.memory_space<vmem>>)
        "tpu.region"() ({
          %run_scoped3A = tpu.sem_alloc : memref<!tpu.dma_semaphore, #tpu.memory_space<semaphore_mem>>
          %dma_start3A_70 = arith.constant 0 : i32
          %dma_start3A_71 = arith.constant 0 : i32
          %dma_start3A_72 = tpu.memref_slice %arg14[%dma_start3A_70, %dma_start3A_71] : memref<10240x32xf32, #tpu.memory_space<vmem_shared>> -> memref<10240x32xf32, #tpu.memory_space<vmem_shared>>
          tpu.enqueue_indirect_dma source(%arg11 : memref<2000x32xf32, #tpu.memory_space<vmem>>) target(%dma_start3A_72 : memref<10240x32xf32, #tpu.memory_space<vmem_shared>>) offsets(%arg10 : memref<2000xi32, #tpu.memory_space<vmem>>) semaphore(%run_scoped3A : memref<!tpu.dma_semaphore, #tpu.memory_space<semaphore_mem>>) {add = true}
          %dma_wait3A_73 = arith.constant 0 : i32
          %dma_wait3A_74 = arith.constant 0 : i32
          %dma_wait3A_75 = tpu.memref_slice %arg14[%dma_wait3A_73, %dma_wait3A_74] : memref<10240x32xf32, #tpu.memory_space<vmem_shared>> -> memref<10240x32xf32, #tpu.memory_space<vmem_shared>>
          tpu.wait_indirect_dma semaphore(%run_scoped3A : memref<!tpu.dma_semaphore, #tpu.memory_space<semaphore_mem>>) src(%arg11 : memref<2000x32xf32, #tpu.memory_space<vmem>>) dst(%dma_wait3A_75 : memref<10240x32xf32, #tpu.memory_space<vmem_shared>>)
          tpu.yield
        }) : () -> ()
        %scan3A_69 = arith.constant 0 : i32
        scf.yield %scan3A_69 : i32
      }
      %scan3A_34 = arith.constant 5 : i32
      %barrier3A_35 = arith.constant 0 : index
      tpu.barrier barrier_id(%barrier3A_35)
      "tpu.region"() ({
        %run_scoped3A = tpu.sem_alloc : memref<!tpu.dma_semaphore, #tpu.memory_space<semaphore_mem>>
        %dma_start3A = arith.constant 0 : i32
        %dma_start3A_51 = arith.constant 0 : i32
        %dma_start3A_52 = tpu.memref_slice %arg11[%dma_start3A, %dma_start3A_51] : memref<2000x32xf32, #tpu.memory_space<vmem>> -> memref<640x32xf32, #tpu.memory_space<vmem>>
        %dma_start3A_53 = arith.constant 0 : i32
        %dma_start3A_54 = tpu.memref_slice %arg14[%mul3A_4, %dma_start3A_53] : memref<10240x32xf32, #tpu.memory_space<vmem_shared>> -> memref<640x32xf32, #tpu.memory_space<vmem_shared>>
        %dma_start3A_55 = arith.constant 0 : i32
        %dma_start3A_56 = arith.constant 0 : i32
        %dma_start3A_57 = tpu.memref_slice %arg11[%dma_start3A_55, %dma_start3A_56] : memref<2000x32xf32, #tpu.memory_space<vmem>> -> memref<640x32xf32, #tpu.memory_space<vmem>>
        %dma_start3A_58 = arith.constant 0 : i32
        %dma_start3A_59 = tpu.memref_slice %arg14[%mul3A_4, %dma_start3A_58] : memref<10240x32xf32, #tpu.memory_space<vmem_shared>> -> memref<640x32xf32, #tpu.memory_space<vmem_shared>>
        tpu.enqueue_dma source(%dma_start3A_59 : memref<640x32xf32, #tpu.memory_space<vmem_shared>>) target(%dma_start3A_57 : memref<640x32xf32, #tpu.memory_space<vmem>>) target_semaphore(%run_scoped3A : memref<!tpu.dma_semaphore, #tpu.memory_space<semaphore_mem>>)
        %dma_wait3A = arith.constant 0 : i32
        %dma_wait3A_60 = arith.constant 0 : i32
        %dma_wait3A_61 = tpu.memref_slice %arg11[%dma_wait3A, %dma_wait3A_60] : memref<2000x32xf32, #tpu.memory_space<vmem>> -> memref<640x32xf32, #tpu.memory_space<vmem>>
        %dma_wait3A_62 = arith.constant 0 : i32
        %dma_wait3A_63 = tpu.memref_slice %arg14[%mul3A_4, %dma_wait3A_62] : memref<10240x32xf32, #tpu.memory_space<vmem_shared>> -> memref<640x32xf32, #tpu.memory_space<vmem_shared>>
        %dma_wait3A_64 = arith.constant 0 : i32
        %dma_wait3A_65 = arith.constant 0 : i32
        %dma_wait3A_66 = tpu.memref_slice %arg11[%dma_wait3A_64, %dma_wait3A_65] : memref<2000x32xf32, #tpu.memory_space<vmem>> -> memref<640x32xf32, #tpu.memory_space<vmem>>
        %dma_wait3A_67 = arith.constant 0 : i32
        %dma_wait3A_68 = tpu.memref_slice %arg14[%mul3A_4, %dma_wait3A_67] : memref<10240x32xf32, #tpu.memory_space<vmem_shared>> -> memref<640x32xf32, #tpu.memory_space<vmem_shared>>
        tpu.wait_dma2 semaphore(%run_scoped3A : memref<!tpu.dma_semaphore, #tpu.memory_space<semaphore_mem>>) src(%dma_wait3A_68 : memref<640x32xf32, #tpu.memory_space<vmem_shared>>) dst(%dma_wait3A_66 : memref<640x32xf32, #tpu.memory_space<vmem>>)
        tpu.yield
      }) : () -> ()
      %scan3A_36 = arith.constant 0 : i32
      %scan3A_37 = arith.constant 0 : i32
      %scan3A_38 = arith.constant 640 : i32
      %scan3A_39 = arith.addi %scan3A_37, %scan3A_38 : i32
      %scan3A_40 = arith.constant 1 : i32
      %scan3A_41 = scf.for %scan3A_51 = %scan3A_37 to %scan3A_39 step %scan3A_40 iter_args(%scan3A_52 = %scan3A_36) -> (i32)  : i32 {
        %get3A = arith.index_cast %scan3A_51 : i32 to index
        %get3A_53 = arith.constant 0 : index
        %get3A_54 = tpu.vector_load %arg12[%get3A, %get3A_53] {strides = array<i32>} : memref<640x32xf32, #tpu.memory_space<vmem>>, vector<1x16xf32>,
        %get3A_55 = vector.shape_cast %get3A_54 : vector<1x16xf32> to vector<16xf32>
        %get3A_56 = arith.index_cast %scan3A_51 : i32 to index
        %get3A_57 = arith.constant 0 : index
        %get3A_58 = tpu.vector_load %arg11[%get3A_56, %get3A_57] {strides = array<i32>} : memref<2000x32xf32, #tpu.memory_space<vmem>>, vector<1x16xf32>,
        %get3A_59 = vector.shape_cast %get3A_58 : vector<1x16xf32> to vector<16xf32>
        %mul3A_60 = arith.mulf %get3A_55, %get3A_59 : vector<16xf32>
        %get3A_61 = arith.index_cast %scan3A_51 : i32 to index
        %get3A_62 = arith.constant 0 : index
        %get3A_63 = tpu.vector_load %arg13[%get3A_61, %get3A_62] {strides = array<i32>} : memref<640x32xf32, #tpu.memory_space<vmem>>, vector<1x16xf32>,
        %get3A_64 = vector.shape_cast %get3A_63 : vector<1x16xf32> to vector<16xf32>
        %add3A_65 = arith.addf %mul3A_60, %get3A_64 : vector<16xf32>
        %swap3A = arith.index_cast %scan3A_51 : i32 to index
        %swap3A_66 = arith.constant 0 : index
        %swap3A_67 = tpu.vector_load %arg11[%swap3A, %swap3A_66] {strides = array<i32>} : memref<2000x32xf32, #tpu.memory_space<vmem>>, vector<1x16xf32>,
        %swap3A_68 = vector.shape_cast %swap3A_67 : vector<1x16xf32> to vector<16xf32>
        %swap3A_69 = vector.shape_cast %add3A_65 : vector<16xf32> to vector<1x16xf32>
        tpu.vector_store %arg11[%swap3A, %swap3A_66], %swap3A_69 {strides = array<i32>} : memref<2000x32xf32, #tpu.memory_space<vmem>>, vector<1x16xf32>,
        %get3A_70 = arith.index_cast %scan3A_51 : i32 to index
        %get3A_71 = arith.constant 16 : index
        %get3A_72 = tpu.vector_load %arg12[%get3A_70, %get3A_71] {strides = array<i32>} : memref<640x32xf32, #tpu.memory_space<vmem>>, vector<1x16xf32>,
        %get3A_73 = vector.shape_cast %get3A_72 : vector<1x16xf32> to vector<16xf32>
        %get3A_74 = arith.index_cast %scan3A_51 : i32 to index
        %get3A_75 = arith.constant 16 : index
        %get3A_76 = tpu.vector_load %arg11[%get3A_74, %get3A_75] {strides = array<i32>} : memref<2000x32xf32, #tpu.memory_space<vmem>>, vector<1x16xf32>,
        %get3A_77 = vector.shape_cast %get3A_76 : vector<1x16xf32> to vector<16xf32>
        %mul3A_78 = arith.mulf %get3A_73, %get3A_77 : vector<16xf32>
        %get3A_79 = arith.index_cast %scan3A_51 : i32 to index
        %get3A_80 = arith.constant 16 : index
        %get3A_81 = tpu.vector_load %arg13[%get3A_79, %get3A_80] {strides = array<i32>} : memref<640x32xf32, #tpu.memory_space<vmem>>, vector<1x16xf32>,
        %get3A_82 = vector.shape_cast %get3A_81 : vector<1x16xf32> to vector<16xf32>
        %add3A_83 = arith.addf %mul3A_78, %get3A_82 : vector<16xf32>
        %swap3A_84 = arith.index_cast %scan3A_51 : i32 to index
        %swap3A_85 = arith.constant 16 : index
        %swap3A_86 = tpu.vector_load %arg11[%swap3A_84, %swap3A_85] {strides = array<i32>} : memref<2000x32xf32, #tpu.memory_space<vmem>>, vector<1x16xf32>,
        %swap3A_87 = vector.shape_cast %swap3A_86 : vector<1x16xf32> to vector<16xf32>
        %swap3A_88 = vector.shape_cast %add3A_83 : vector<16xf32> to vector<1x16xf32>
        tpu.vector_store %arg11[%swap3A_84, %swap3A_85], %swap3A_88 {strides = array<i32>} : memref<2000x32xf32, #tpu.memory_space<vmem>>, vector<1x16xf32>,
        %scan3A_89 = arith.constant 0 : i32
        scf.yield %scan3A_89 : i32
      }
      %scan3A_42 = arith.constant 640 : i32
      "tpu.region"() ({
        %run_scoped3A = tpu.sem_alloc : memref<!tpu.dma_semaphore, #tpu.memory_space<semaphore_mem>>
        %dma_start3A = arith.constant 0 : i32
        %dma_start3A_51 = arith.constant 0 : i32
        %dma_start3A_52 = tpu.memref_slice %arg11[%dma_start3A, %dma_start3A_51] : memref<2000x32xf32, #tpu.memory_space<vmem>> -> memref<640x32xf32, #tpu.memory_space<vmem>>
        %dma_start3A_53 = arith.constant 0 : i32
        %dma_start3A_54 = tpu.memref_slice %arg7[%add3A, %dma_start3A_53] : memref<20480x32xf32, #tpu.memory_space<hbm>> -> memref<640x32xf32, #tpu.memory_space<hbm>>
        %dma_start3A_55 = arith.constant 0 : i32
        %dma_start3A_56 = tpu.memref_slice %arg7[%add3A, %dma_start3A_55] : memref<20480x32xf32, #tpu.memory_space<hbm>> -> memref<640x32xf32, #tpu.memory_space<hbm>>
        %dma_start3A_57 = arith.constant 0 : i32
        %dma_start3A_58 = arith.constant 0 : i32
        %dma_start3A_59 = tpu.memref_slice %arg11[%dma_start3A_57, %dma_start3A_58] : memref<2000x32xf32, #tpu.memory_space<vmem>> -> memref<640x32xf32, #tpu.memory_space<vmem>>
        tpu.enqueue_dma source(%dma_start3A_59 : memref<640x32xf32, #tpu.memory_space<vmem>>) target(%dma_start3A_56 : memref<640x32xf32, #tpu.memory_space<hbm>>) target_semaphore(%run_scoped3A : memref<!tpu.dma_semaphore, #tpu.memory_space<semaphore_mem>>)
        %dma_wait3A = arith.constant 0 : i32
        %dma_wait3A_60 = arith.constant 0 : i32
        %dma_wait3A_61 = tpu.memref_slice %arg11[%dma_wait3A, %dma_wait3A_60] : memref<2000x32xf32, #tpu.memory_space<vmem>> -> memref<640x32xf32, #tpu.memory_space<vmem>>
        %dma_wait3A_62 = arith.constant 0 : i32
        %dma_wait3A_63 = tpu.memref_slice %arg7[%add3A, %dma_wait3A_62] : memref<20480x32xf32, #tpu.memory_space<hbm>> -> memref<640x32xf32, #tpu.memory_space<hbm>>
        %dma_wait3A_64 = arith.constant 0 : i32
        %dma_wait3A_65 = tpu.memref_slice %arg7[%add3A, %dma_wait3A_64] : memref<20480x32xf32, #tpu.memory_space<hbm>> -> memref<640x32xf32, #tpu.memory_space<hbm>>
        %dma_wait3A_66 = arith.constant 0 : i32
        %dma_wait3A_67 = arith.constant 0 : i32
        %dma_wait3A_68 = tpu.memref_slice %arg11[%dma_wait3A_66, %dma_wait3A_67] : memref<2000x32xf32, #tpu.memory_space<vmem>> -> memref<640x32xf32, #tpu.memory_space<vmem>>
        tpu.wait_dma2 semaphore(%run_scoped3A : memref<!tpu.dma_semaphore, #tpu.memory_space<semaphore_mem>>) src(%dma_wait3A_68 : memref<640x32xf32, #tpu.memory_space<vmem>>) dst(%dma_wait3A_65 : memref<640x32xf32, #tpu.memory_space<hbm>>)
        tpu.yield
      }) : () -> ()
      %scan3A_43 = arith.constant 0 : i32
      %scan3A_44 = arith.constant 0 : i32
      %scan3A_45 = arith.constant 640 : i32
      %scan3A_46 = arith.addi %scan3A_44, %scan3A_45 : i32
      %scan3A_47 = arith.constant 1 : i32
      %scan3A_48 = scf.for %scan3A_51 = %scan3A_44 to %scan3A_46 step %scan3A_47 iter_args(%scan3A_52 = %scan3A_43) -> (i32)  : i32 {
        %broadcast_in_dim3A = arith.constant 0.000000e+00 : f32
        %broadcast_in_dim3A_53 = vector.broadcast %broadcast_in_dim3A : f32 to vector<16xf32>
        %swap3A = arith.index_cast %scan3A_51 : i32 to index
        %swap3A_54 = arith.constant 0 : index
        %swap3A_55 = tpu.vector_load %arg11[%swap3A, %swap3A_54] {strides = array<i32>} : memref<2000x32xf32, #tpu.memory_space<vmem>>, vector<1x16xf32>,
        %swap3A_56 = vector.shape_cast %swap3A_55 : vector<1x16xf32> to vector<16xf32>
        %swap3A_57 = vector.shape_cast %broadcast_in_dim3A_53 : vector<16xf32> to vector<1x16xf32>
        tpu.vector_store %arg11[%swap3A, %swap3A_54], %swap3A_57 {strides = array<i32>} : memref<2000x32xf32, #tpu.memory_space<vmem>>, vector<1x16xf32>,
        %broadcast_in_dim3A_58 = arith.constant 0.000000e+00 : f32
        %broadcast_in_dim3A_59 = vector.broadcast %broadcast_in_dim3A_58 : f32 to vector<16xf32>
        %swap3A_60 = arith.index_cast %scan3A_51 : i32 to index
        %swap3A_61 = arith.constant 16 : index
        %swap3A_62 = tpu.vector_load %arg11[%swap3A_60, %swap3A_61] {strides = array<i32>} : memref<2000x32xf32, #tpu.memory_space<vmem>>, vector<1x16xf32>,
        %swap3A_63 = vector.shape_cast %swap3A_62 : vector<1x16xf32> to vector<16xf32>
        %swap3A_64 = vector.shape_cast %broadcast_in_dim3A_59 : vector<16xf32> to vector<1x16xf32>
        tpu.vector_store %arg11[%swap3A_60, %swap3A_61], %swap3A_64 {strides = array<i32>} : memref<2000x32xf32, #tpu.memory_space<vmem>>, vector<1x16xf32>,
        %scan3A_65 = arith.constant 0 : i32
        scf.yield %scan3A_65 : i32
      }
      %scan3A_49 = arith.constant 640 : i32
      "tpu.region"() ({
        %run_scoped3A = tpu.sem_alloc : memref<!tpu.dma_semaphore, #tpu.memory_space<semaphore_mem>>
        %dma_start3A = arith.constant 0 : i32
        %dma_start3A_51 = arith.constant 0 : i32
        %dma_start3A_52 = tpu.memref_slice %arg11[%dma_start3A, %dma_start3A_51] : memref<2000x32xf32, #tpu.memory_space<vmem>> -> memref<640x32xf32, #tpu.memory_space<vmem>>
        %dma_start3A_53 = arith.constant 0 : i32
        %dma_start3A_54 = tpu.memref_slice %arg14[%mul3A_4, %dma_start3A_53] : memref<10240x32xf32, #tpu.memory_space<vmem_shared>> -> memref<640x32xf32, #tpu.memory_space<vmem_shared>>
        %dma_start3A_55 = arith.constant 0 : i32
        %dma_start3A_56 = tpu.memref_slice %arg14[%mul3A_4, %dma_start3A_55] : memref<10240x32xf32, #tpu.memory_space<vmem_shared>> -> memref<640x32xf32, #tpu.memory_space<vmem_shared>>
        %dma_start3A_57 = arith.constant 0 : i32
        %dma_start3A_58 = arith.constant 0 : i32
        %dma_start3A_59 = tpu.memref_slice %arg11[%dma_start3A_57, %dma_start3A_58] : memref<2000x32xf32, #tpu.memory_space<vmem>> -> memref<640x32xf32, #tpu.memory_space<vmem>>
        tpu.enqueue_dma source(%dma_start3A_59 : memref<640x32xf32, #tpu.memory_space<vmem>>) target(%dma_start3A_56 : memref<640x32xf32, #tpu.memory_space<vmem_shared>>) target_semaphore(%run_scoped3A : memref<!tpu.dma_semaphore, #tpu.memory_space<semaphore_mem>>)
        %dma_wait3A = arith.constant 0 : i32
        %dma_wait3A_60 = arith.constant 0 : i32
        %dma_wait3A_61 = tpu.memref_slice %arg11[%dma_wait3A, %dma_wait3A_60] : memref<2000x32xf32, #tpu.memory_space<vmem>> -> memref<640x32xf32, #tpu.memory_space<vmem>>
        %dma_wait3A_62 = arith.constant 0 : i32
        %dma_wait3A_63 = tpu.memref_slice %arg14[%mul3A_4, %dma_wait3A_62] : memref<10240x32xf32, #tpu.memory_space<vmem_shared>> -> memref<640x32xf32, #tpu.memory_space<vmem_shared>>
        %dma_wait3A_64 = arith.constant 0 : i32
        %dma_wait3A_65 = tpu.memref_slice %arg14[%mul3A_4, %dma_wait3A_64] : memref<10240x32xf32, #tpu.memory_space<vmem_shared>> -> memref<640x32xf32, #tpu.memory_space<vmem_shared>>
        %dma_wait3A_66 = arith.constant 0 : i32
        %dma_wait3A_67 = arith.constant 0 : i32
        %dma_wait3A_68 = tpu.memref_slice %arg11[%dma_wait3A_66, %dma_wait3A_67] : memref<2000x32xf32, #tpu.memory_space<vmem>> -> memref<640x32xf32, #tpu.memory_space<vmem>>
        tpu.wait_dma2 semaphore(%run_scoped3A : memref<!tpu.dma_semaphore, #tpu.memory_space<semaphore_mem>>) src(%dma_wait3A_68 : memref<640x32xf32, #tpu.memory_space<vmem>>) dst(%dma_wait3A_65 : memref<640x32xf32, #tpu.memory_space<vmem_shared>>)
        tpu.yield
      }) : () -> ()
      %barrier3A_50 = arith.constant 0 : index
      tpu.barrier barrier_id(%barrier3A_50)
    }
    %scan3A_18 = arith.constant 9 : i32
    %scan3A_19 = arith.constant 0 : i32
    %scan3A_20 = arith.constant 0 : i32
    %scan3A_21 = arith.constant 5 : i32
    %scan3A_22 = arith.addi %scan3A_20, %scan3A_21 : i32
    %scan3A_23 = arith.constant 1 : i32
    %scan3A_24 = scf.for %scan3A_27 = %scan3A_20 to %scan3A_22 step %scan3A_23 iter_args(%scan3A_28 = %scan3A_19) -> (i32)  : i32 {
      %mul3A_29 = arith.constant 10000 : i32
      %mul3A_30 = arith.muli %arg1, %mul3A_29 : i32
      %mul3A_31 = arith.constant 2000 : i32
      %mul3A_32 = arith.muli %scan3A_27, %mul3A_31 : i32
      %add3A_33 = arith.addi %mul3A_30, %mul3A_32 : i32
      "tpu.region"() ({
        %run_scoped3A = tpu.sem_alloc : memref<!tpu.dma_semaphore, #tpu.memory_space<semaphore_mem>>
        %dma_start3A_46 = tpu.memref_slice %arg2[%add3A_33] : memref<320000xi32, #tpu.memory_space<hbm>> -> memref<2000xi32, #tpu.memory_space<hbm>>
        %dma_start3A_47 = tpu.memref_slice %arg2[%add3A_33] : memref<320000xi32, #tpu.memory_space<hbm>> -> memref<2000xi32, #tpu.memory_space<hbm>>
        tpu.enqueue_dma source(%dma_start3A_47 : memref<2000xi32, #tpu.memory_space<hbm>>) target(%arg9 : memref<2000xi32, #tpu.memory_space<vmem>>) target_semaphore(%run_scoped3A : memref<!tpu.dma_semaphore, #tpu.memory_space<semaphore_mem>>)
        %dma_wait3A_48 = tpu.memref_slice %arg2[%add3A_33] : memref<320000xi32, #tpu.memory_space<hbm>> -> memref<2000xi32, #tpu.memory_space<hbm>>
        %dma_wait3A_49 = tpu.memref_slice %arg2[%add3A_33] : memref<320000xi32, #tpu.memory_space<hbm>> -> memref<2000xi32, #tpu.memory_space<hbm>>
        tpu.wait_dma2 semaphore(%run_scoped3A : memref<!tpu.dma_semaphore, #tpu.memory_space<semaphore_mem>>) src(%dma_wait3A_49 : memref<2000xi32, #tpu.memory_space<hbm>>) dst(%arg9 : memref<2000xi32, #tpu.memory_space<vmem>>)
        tpu.yield
      }) : () -> ()
      "tpu.region"() ({
        %run_scoped3A = tpu.sem_alloc : memref<!tpu.dma_semaphore, #tpu.memory_space<semaphore_mem>>
        %dma_start3A_46 = tpu.memref_slice %arg3[%add3A_33] : memref<320000xi32, #tpu.memory_space<hbm>> -> memref<2000xi32, #tpu.memory_space<hbm>>
        %dma_start3A_47 = tpu.memref_slice %arg3[%add3A_33] : memref<320000xi32, #tpu.memory_space<hbm>> -> memref<2000xi32, #tpu.memory_space<hbm>>
        tpu.enqueue_dma source(%dma_start3A_47 : memref<2000xi32, #tpu.memory_space<hbm>>) target(%arg10 : memref<2000xi32, #tpu.memory_space<vmem>>) target_semaphore(%run_scoped3A : memref<!tpu.dma_semaphore, #tpu.memory_space<semaphore_mem>>)
        %dma_wait3A_48 = tpu.memref_slice %arg3[%add3A_33] : memref<320000xi32, #tpu.memory_space<hbm>> -> memref<2000xi32, #tpu.memory_space<hbm>>
        %dma_wait3A_49 = tpu.memref_slice %arg3[%add3A_33] : memref<320000xi32, #tpu.memory_space<hbm>> -> memref<2000xi32, #tpu.memory_space<hbm>>
        tpu.wait_dma2 semaphore(%run_scoped3A : memref<!tpu.dma_semaphore, #tpu.memory_space<semaphore_mem>>) src(%dma_wait3A_49 : memref<2000xi32, #tpu.memory_space<hbm>>) dst(%arg10 : memref<2000xi32, #tpu.memory_space<vmem>>)
        tpu.yield
      }) : () -> ()
      %scan3A_34 = arith.constant 0 : i32
      %scan3A_35 = arith.constant 0 : i32
      %scan3A_36 = arith.constant 125 : i32
      %scan3A_37 = arith.addi %scan3A_35, %scan3A_36 : i32
      %scan3A_38 = arith.constant 1 : i32
      %scan3A_39 = scf.for %scan3A_46 = %scan3A_35 to %scan3A_37 step %scan3A_38 iter_args(%scan3A_47 = %scan3A_34) -> (i32)  : i32 {
        %mul3A_48 = arith.constant 16 : i32
        %mul3A_49 = arith.muli %scan3A_46, %mul3A_48 : i32
        %get3A = arith.index_cast %mul3A_49 : i32 to index
        %get3A_50 = tpu.vector_load %arg9[%get3A] {strides = array<i32>} : memref<2000xi32, #tpu.memory_space<vmem>>, vector<16xi32>,
        %get3A_51 = vector.shape_cast %get3A_50 : vector<16xi32> to vector<16xi32>
        %add3A_52 = vector.broadcast %mul3A_12 : i32 to vector<16xi32>
        %add3A_53 = arith.addi %get3A_51, %add3A_52 : vector<16xi32>
        %swap3A = arith.index_cast %mul3A_49 : i32 to index
        %swap3A_54 = tpu.vector_load %arg9[%swap3A] {strides = array<i32>} : memref<2000xi32, #tpu.memory_space<vmem>>, vector<16xi32>,
        %swap3A_55 = vector.shape_cast %swap3A_54 : vector<16xi32> to vector<16xi32>
        %swap3A_56 = vector.shape_cast %add3A_53 : vector<16xi32> to vector<16xi32>
        tpu.vector_store %arg9[%swap3A], %swap3A_56 {strides = array<i32>} : memref<2000xi32, #tpu.memory_space<vmem>>, vector<16xi32>,
        %scan3A_57 = arith.constant 0 : i32
        scf.yield %scan3A_57 : i32
      }
      %scan3A_40 = arith.constant 125 : i32
      %dma_start3A = arith.constant 0 : i32
      %dma_start3A_41 = arith.constant 0 : i32
      %dma_start3A_42 = tpu.memref_slice %arg7[%dma_start3A, %dma_start3A_41] : memref<20480x32xf32, #tpu.memory_space<hbm>> -> memref<20480x32xf32, #tpu.memory_space<hbm>>
      tpu.enqueue_indirect_dma source(%dma_start3A_42 : memref<20480x32xf32, #tpu.memory_space<hbm>>) target(%arg11 : memref<2000x32xf32, #tpu.memory_space<vmem>>) offsets(%arg9 : memref<2000xi32, #tpu.memory_space<vmem>>) semaphore(%arg15 : memref<!tpu.dma_semaphore, #tpu.memory_space<semaphore_mem>>)
      %dma_wait3A = arith.constant 0 : i32
      %dma_wait3A_43 = arith.constant 0 : i32
      %dma_wait3A_44 = tpu.memref_slice %arg7[%dma_wait3A, %dma_wait3A_43] : memref<20480x32xf32, #tpu.memory_space<hbm>> -> memref<20480x32xf32, #tpu.memory_space<hbm>>
      tpu.wait_indirect_dma semaphore(%arg15 : memref<!tpu.dma_semaphore, #tpu.memory_space<semaphore_mem>>) src(%dma_wait3A_44 : memref<20480x32xf32, #tpu.memory_space<hbm>>) dst(%arg11 : memref<2000x32xf32, #tpu.memory_space<vmem>>)
      "tpu.region"() ({
        %run_scoped3A = tpu.sem_alloc : memref<!tpu.dma_semaphore, #tpu.memory_space<semaphore_mem>>
        %dma_start3A_46 = arith.constant 0 : i32
        %dma_start3A_47 = arith.constant 0 : i32
        %dma_start3A_48 = tpu.memref_slice %arg14[%dma_start3A_46, %dma_start3A_47] : memref<10240x32xf32, #tpu.memory_space<vmem_shared>> -> memref<10240x32xf32, #tpu.memory_space<vmem_shared>>
        tpu.enqueue_indirect_dma source(%arg11 : memref<2000x32xf32, #tpu.memory_space<vmem>>) target(%dma_start3A_48 : memref<10240x32xf32, #tpu.memory_space<vmem_shared>>) offsets(%arg10 : memref<2000xi32, #tpu.memory_space<vmem>>) semaphore(%run_scoped3A : memref<!tpu.dma_semaphore, #tpu.memory_space<semaphore_mem>>) {add = true}
        %dma_wait3A_49 = arith.constant 0 : i32
        %dma_wait3A_50 = arith.constant 0 : i32
        %dma_wait3A_51 = tpu.memref_slice %arg14[%dma_wait3A_49, %dma_wait3A_50] : memref<10240x32xf32, #tpu.memory_space<vmem_shared>> -> memref<10240x32xf32, #tpu.memory_space<vmem_shared>>
        tpu.wait_indirect_dma semaphore(%run_scoped3A : memref<!tpu.dma_semaphore, #tpu.memory_space<semaphore_mem>>) src(%arg11 : memref<2000x32xf32, #tpu.memory_space<vmem>>) dst(%dma_wait3A_51 : memref<10240x32xf32, #tpu.memory_space<vmem_shared>>)
        tpu.yield
      }) : () -> ()
      %scan3A_45 = arith.constant 0 : i32
      scf.yield %scan3A_45 : i32
    }
    %scan3A_25 = arith.constant 5 : i32
    %barrier3A_26 = arith.constant 0 : index
    tpu.barrier barrier_id(%barrier3A_26)
    "tpu.region"() ({
      %run_scoped3A = tpu.sem_alloc : memref<!tpu.dma_semaphore, #tpu.memory_space<semaphore_mem>>
      %dma_start3A = arith.constant 0 : i32
      %dma_start3A_27 = tpu.memref_slice %arg8[%add3A, %dma_start3A] : memref<20480x32xf32, #tpu.memory_space<hbm>> -> memref<640x32xf32, #tpu.memory_space<hbm>>
      %dma_start3A_28 = arith.constant 0 : i32
      %dma_start3A_29 = tpu.memref_slice %arg14[%mul3A_4, %dma_start3A_28] : memref<10240x32xf32, #tpu.memory_space<vmem_shared>> -> memref<640x32xf32, #tpu.memory_space<vmem_shared>>
      tpu.enqueue_dma source(%dma_start3A_29 : memref<640x32xf32, #tpu.memory_space<vmem_shared>>) target(%dma_start3A_27 : memref<640x32xf32, #tpu.memory_space<hbm>>) target_semaphore(%run_scoped3A : memref<!tpu.dma_semaphore, #tpu.memory_space<semaphore_mem>>)
      %dma_wait3A = arith.constant 0 : i32
      %dma_wait3A_30 = tpu.memref_slice %arg8[%add3A, %dma_wait3A] : memref<20480x32xf32, #tpu.memory_space<hbm>> -> memref<640x32xf32, #tpu.memory_space<hbm>>
      %dma_wait3A_31 = arith.constant 0 : i32
      %dma_wait3A_32 = tpu.memref_slice %arg14[%mul3A_4, %dma_wait3A_31] : memref<10240x32xf32, #tpu.memory_space<vmem_shared>> -> memref<640x32xf32, #tpu.memory_space<vmem_shared>>
      tpu.wait_dma2 semaphore(%run_scoped3A : memref<!tpu.dma_semaphore, #tpu.memory_space<semaphore_mem>>) src(%dma_wait3A_32 : memref<640x32xf32, #tpu.memory_space<vmem_shared>>) dst(%dma_wait3A_30 : memref<640x32xf32, #tpu.memory_space<hbm>>)
      tpu.yield
    }) : () -> ()
    return
  }
}

#map = affine_map<(d0, d1) -> (0)>
module attributes {stable_mosaic.version = 14 : i64} {
  func.func @_deg_kernel(%arg0: i32, %arg1: i32, %arg2: memref<320000xi32, #tpu.memory_space<hbm>>, %arg3: memref<20480xf32, #tpu.memory_space<hbm>>, %arg4: memref<2000xi32, #tpu.memory_space<vmem>>, %arg5: memref<2000xf32, #tpu.memory_space<vmem>>, %arg6: memref<640xf32, #tpu.memory_space<vmem>>, %arg7: memref<10240xf32, #tpu.memory_space<vmem_shared>>, %arg8: memref<!tpu.dma_semaphore, #tpu.memory_space<semaphore_mem>>) attributes {dimension_semantics = [#tpu.dimension_semantics<core_parallel>, #tpu.dimension_semantics<subcore_parallel>], iteration_bounds = array<i64: 2, 16>, scalar_prefetch = 0 : i64, scratch_operands = 5 : i64, tpu.core_type = #tpu.core_type<sc_vector_subcore>, window_params = [{transform_indices = #map}, {transform_indices = #map}]} {
    %mul3A = arith.constant 16 : i32
    %mul3A_0 = arith.muli %arg0, %mul3A : i32
    %add3A = arith.addi %mul3A_0, %arg1 : i32
    %scan3A = arith.constant 0 : i32
    %scan3A_1 = arith.constant 0 : i32
    %scan3A_2 = arith.constant 125 : i32
    %scan3A_3 = arith.addi %scan3A_1, %scan3A_2 : i32
    %scan3A_4 = arith.constant 1 : i32
    %scan3A_5 = scf.for %scan3A_31 = %scan3A_1 to %scan3A_3 step %scan3A_4 iter_args(%scan3A_32 = %scan3A) -> (i32)  : i32 {
      %broadcast_in_dim3A = arith.constant 1.000000e+00 : f32
      %broadcast_in_dim3A_33 = vector.broadcast %broadcast_in_dim3A : f32 to vector<16xf32>
      %mul3A_34 = arith.constant 16 : i32
      %mul3A_35 = arith.muli %scan3A_31, %mul3A_34 : i32
      %swap3A = arith.index_cast %mul3A_35 : i32 to index
      %swap3A_36 = tpu.vector_load %arg5[%swap3A] {strides = array<i32>} : memref<2000xf32, #tpu.memory_space<vmem>>, vector<16xf32>,
      %swap3A_37 = vector.shape_cast %swap3A_36 : vector<16xf32> to vector<16xf32>
      %swap3A_38 = vector.shape_cast %broadcast_in_dim3A_33 : vector<16xf32> to vector<16xf32>
      tpu.vector_store %arg5[%swap3A], %swap3A_38 {strides = array<i32>} : memref<2000xf32, #tpu.memory_space<vmem>>, vector<16xf32>,
      %scan3A_39 = arith.constant 0 : i32
      scf.yield %scan3A_39 : i32
    }
    %scan3A_6 = arith.constant 125 : i32
    %scan3A_7 = arith.constant 0 : i32
    %scan3A_8 = arith.constant 0 : i32
    %scan3A_9 = arith.constant 40 : i32
    %scan3A_10 = arith.addi %scan3A_8, %scan3A_9 : i32
    %scan3A_11 = arith.constant 1 : i32
    %scan3A_12 = scf.for %scan3A_31 = %scan3A_8 to %scan3A_10 step %scan3A_11 iter_args(%scan3A_32 = %scan3A_7) -> (i32)  : i32 {
      %broadcast_in_dim3A = arith.constant 0.000000e+00 : f32
      %broadcast_in_dim3A_33 = vector.broadcast %broadcast_in_dim3A : f32 to vector<16xf32>
      %mul3A_34 = arith.constant 16 : i32
      %mul3A_35 = arith.muli %scan3A_31, %mul3A_34 : i32
      %swap3A = arith.index_cast %mul3A_35 : i32 to index
      %swap3A_36 = tpu.vector_load %arg6[%swap3A] {strides = array<i32>} : memref<640xf32, #tpu.memory_space<vmem>>, vector<16xf32>,
      %swap3A_37 = vector.shape_cast %swap3A_36 : vector<16xf32> to vector<16xf32>
      %swap3A_38 = vector.shape_cast %broadcast_in_dim3A_33 : vector<16xf32> to vector<16xf32>
      tpu.vector_store %arg6[%swap3A], %swap3A_38 {strides = array<i32>} : memref<640xf32, #tpu.memory_space<vmem>>, vector<16xf32>,
      %scan3A_39 = arith.constant 0 : i32
      scf.yield %scan3A_39 : i32
    }
    %scan3A_13 = arith.constant 40 : i32
    %mul3A_14 = arith.constant 640 : i32
    %mul3A_15 = arith.muli %arg1, %mul3A_14 : i32
    "tpu.region"() ({
      %run_scoped3A = tpu.sem_alloc : memref<!tpu.dma_semaphore, #tpu.memory_space<semaphore_mem>>
      %dma_start3A = tpu.memref_slice %arg7[%mul3A_15] : memref<10240xf32, #tpu.memory_space<vmem_shared>> -> memref<640xf32, #tpu.memory_space<vmem_shared>>
      %dma_start3A_31 = tpu.memref_slice %arg7[%mul3A_15] : memref<10240xf32, #tpu.memory_space<vmem_shared>> -> memref<640xf32, #tpu.memory_space<vmem_shared>>
      tpu.enqueue_dma source(%arg6 : memref<640xf32, #tpu.memory_space<vmem>>) target(%dma_start3A_31 : memref<640xf32, #tpu.memory_space<vmem_shared>>) target_semaphore(%run_scoped3A : memref<!tpu.dma_semaphore, #tpu.memory_space<semaphore_mem>>)
      %dma_wait3A = tpu.memref_slice %arg7[%mul3A_15] : memref<10240xf32, #tpu.memory_space<vmem_shared>> -> memref<640xf32, #tpu.memory_space<vmem_shared>>
      %dma_wait3A_32 = tpu.memref_slice %arg7[%mul3A_15] : memref<10240xf32, #tpu.memory_space<vmem_shared>> -> memref<640xf32, #tpu.memory_space<vmem_shared>>
      tpu.wait_dma2 semaphore(%run_scoped3A : memref<!tpu.dma_semaphore, #tpu.memory_space<semaphore_mem>>) src(%arg6 : memref<640xf32, #tpu.memory_space<vmem>>) dst(%dma_wait3A_32 : memref<640xf32, #tpu.memory_space<vmem_shared>>)
      tpu.yield
    }) : () -> ()
    %barrier3A = arith.constant 0 : index
    tpu.barrier barrier_id(%barrier3A)
    %scan3A_16 = arith.constant 0 : i32
    %scan3A_17 = arith.constant 0 : i32
    %scan3A_18 = arith.constant 5 : i32
    %scan3A_19 = arith.addi %scan3A_17, %scan3A_18 : i32
    %scan3A_20 = arith.constant 1 : i32
    %scan3A_21 = scf.for %scan3A_31 = %scan3A_17 to %scan3A_19 step %scan3A_20 iter_args(%scan3A_32 = %scan3A_16) -> (i32)  : i32 {
      %mul3A_33 = arith.constant 10000 : i32
      %mul3A_34 = arith.muli %add3A, %mul3A_33 : i32
      %mul3A_35 = arith.constant 2000 : i32
      %mul3A_36 = arith.muli %scan3A_31, %mul3A_35 : i32
      %add3A_37 = arith.addi %mul3A_34, %mul3A_36 : i32
      "tpu.region"() ({
        %run_scoped3A = tpu.sem_alloc : memref<!tpu.dma_semaphore, #tpu.memory_space<semaphore_mem>>
        %dma_start3A = tpu.memref_slice %arg2[%add3A_37] : memref<320000xi32, #tpu.memory_space<hbm>> -> memref<2000xi32, #tpu.memory_space<hbm>>
        %dma_start3A_39 = tpu.memref_slice %arg2[%add3A_37] : memref<320000xi32, #tpu.memory_space<hbm>> -> memref<2000xi32, #tpu.memory_space<hbm>>
        tpu.enqueue_dma source(%dma_start3A_39 : memref<2000xi32, #tpu.memory_space<hbm>>) target(%arg4 : memref<2000xi32, #tpu.memory_space<vmem>>) target_semaphore(%run_scoped3A : memref<!tpu.dma_semaphore, #tpu.memory_space<semaphore_mem>>)
        %dma_wait3A = tpu.memref_slice %arg2[%add3A_37] : memref<320000xi32, #tpu.memory_space<hbm>> -> memref<2000xi32, #tpu.memory_space<hbm>>
        %dma_wait3A_40 = tpu.memref_slice %arg2[%add3A_37] : memref<320000xi32, #tpu.memory_space<hbm>> -> memref<2000xi32, #tpu.memory_space<hbm>>
        tpu.wait_dma2 semaphore(%run_scoped3A : memref<!tpu.dma_semaphore, #tpu.memory_space<semaphore_mem>>) src(%dma_wait3A_40 : memref<2000xi32, #tpu.memory_space<hbm>>) dst(%arg4 : memref<2000xi32, #tpu.memory_space<vmem>>)
        tpu.yield
      }) : () -> ()
      "tpu.region"() ({
        %run_scoped3A = tpu.sem_alloc : memref<!tpu.dma_semaphore, #tpu.memory_space<semaphore_mem>>
        %dma_start3A = arith.constant 0 : i32
        %dma_start3A_39 = tpu.memref_slice %arg7[%dma_start3A] : memref<10240xf32, #tpu.memory_space<vmem_shared>> -> memref<10240xf32, #tpu.memory_space<vmem_shared>>
        tpu.enqueue_indirect_dma source(%arg5 : memref<2000xf32, #tpu.memory_space<vmem>>) target(%dma_start3A_39 : memref<10240xf32, #tpu.memory_space<vmem_shared>>) offsets(%arg4 : memref<2000xi32, #tpu.memory_space<vmem>>) semaphore(%run_scoped3A : memref<!tpu.dma_semaphore, #tpu.memory_space<semaphore_mem>>) {add = true}
        %dma_wait3A = arith.constant 0 : i32
        %dma_wait3A_40 = tpu.memref_slice %arg7[%dma_wait3A] : memref<10240xf32, #tpu.memory_space<vmem_shared>> -> memref<10240xf32, #tpu.memory_space<vmem_shared>>
        tpu.wait_indirect_dma semaphore(%run_scoped3A : memref<!tpu.dma_semaphore, #tpu.memory_space<semaphore_mem>>) src(%arg5 : memref<2000xf32, #tpu.memory_space<vmem>>) dst(%dma_wait3A_40 : memref<10240xf32, #tpu.memory_space<vmem_shared>>)
        tpu.yield
      }) : () -> ()
      %scan3A_38 = arith.constant 0 : i32
      scf.yield %scan3A_38 : i32
    }
    %scan3A_22 = arith.constant 5 : i32
    %barrier3A_23 = arith.constant 0 : index
    tpu.barrier barrier_id(%barrier3A_23)
    %mul3A_24 = arith.constant 640 : i32
    %mul3A_25 = arith.muli %arg1, %mul3A_24 : i32
    %mul3A_26 = arith.constant 10240 : i32
    %mul3A_27 = arith.muli %arg0, %mul3A_26 : i32
    %mul3A_28 = arith.constant 640 : i32
    %mul3A_29 = arith.muli %arg1, %mul3A_28 : i32
    %add3A_30 = arith.addi %mul3A_27, %mul3A_29 : i32
    "tpu.region"() ({
      %run_scoped3A = tpu.sem_alloc : memref<!tpu.dma_semaphore, #tpu.memory_space<semaphore_mem>>
      %dma_start3A = tpu.memref_slice %arg3[%add3A_30] : memref<20480xf32, #tpu.memory_space<hbm>> -> memref<640xf32, #tpu.memory_space<hbm>>
      %dma_start3A_31 = tpu.memref_slice %arg7[%mul3A_25] : memref<10240xf32, #tpu.memory_space<vmem_shared>> -> memref<640xf32, #tpu.memory_space<vmem_shared>>
      tpu.enqueue_dma source(%dma_start3A_31 : memref<640xf32, #tpu.memory_space<vmem_shared>>) target(%dma_start3A : memref<640xf32, #tpu.memory_space<hbm>>) target_semaphore(%run_scoped3A : memref<!tpu.dma_semaphore, #tpu.memory_space<semaphore_mem>>)
      %dma_wait3A = tpu.memref_slice %arg3[%add3A_30] : memref<20480xf32, #tpu.memory_space<hbm>> -> memref<640xf32, #tpu.memory_space<hbm>>
      %dma_wait3A_32 = tpu.memref_slice %arg7[%mul3A_25] : memref<10240xf32, #tpu.memory_space<vmem_shared>> -> memref<640xf32, #tpu.memory_space<vmem_shared>>
      tpu.wait_dma2 semaphore(%run_scoped3A : memref<!tpu.dma_semaphore, #tpu.memory_space<semaphore_mem>>) src(%dma_wait3A_32 : memref<640xf32, #tpu.memory_space<vmem_shared>>) dst(%dma_wait3A : memref<640xf32, #tpu.memory_space<hbm>>)
      tpu.yield
    }) : () -> ()
    return
  }
}

module attributes {stable_mosaic.version = 14 : i64} {
  func.func @_mlp_body(%arg0: i32, %arg1: memref<2000x128xf32, #tpu.memory_space<vmem>>, %arg2: memref<128x256xf32, #tpu.memory_space<vmem>>, %arg3: memref<256xf32, #tpu.memory_space<vmem>>, %arg4: memref<256x256xf32, #tpu.memory_space<vmem>>, %arg5: memref<256xf32, #tpu.memory_space<vmem>>, %arg6: memref<256x40xf32, #tpu.memory_space<vmem>>, %arg7: memref<40xf32, #tpu.memory_space<vmem>>, %arg8: memref<2000x40xf32, #tpu.memory_space<vmem>>) attributes {dimension_semantics = [#tpu.dimension_semantics<arbitrary>], iteration_bounds = array<i64: 5>, scalar_prefetch = 0 : i64, scratch_operands = 0 : i64, tpu.core_type = #tpu.core_type<tc>, window_params = [{transform_indices = @transform_0, window_bounds = array<i64: 2000, 128>}, {pipeline_mode = #tpu.pipeline_mode<synchronous>, transform_indices = @transform_1, window_bounds = array<i64: 128, 256>}, {pipeline_mode = #tpu.pipeline_mode<synchronous>, transform_indices = @transform_2, window_bounds = array<i64: 256>}, {pipeline_mode = #tpu.pipeline_mode<synchronous>, transform_indices = @transform_3, window_bounds = array<i64: 256, 256>}, {pipeline_mode = #tpu.pipeline_mode<synchronous>, transform_indices = @transform_4, window_bounds = array<i64: 256>}, {pipeline_mode = #tpu.pipeline_mode<synchronous>, transform_indices = @transform_5, window_bounds = array<i64: 256, 40>}, {pipeline_mode = #tpu.pipeline_mode<synchronous>, transform_indices = @transform_6, window_bounds = array<i64: 40>}, {transform_indices = @transform_7, window_bounds = array<i64: 2000, 40>}]} {
    %get3A = arith.constant 0 : index
    %get3A_0 = arith.constant 0 : index
    %get3A_1 = vector.load %arg1[%get3A, %get3A_0] : memref<2000x128xf32, #tpu.memory_space<vmem>>, vector<2000x128xf32>
    %get3A_2 = arith.constant 0 : index
    %get3A_3 = arith.constant 0 : index
    %get3A_4 = vector.load %arg2[%get3A_2, %get3A_3] : memref<128x256xf32, #tpu.memory_space<vmem>>, vector<128x256xf32>
    %dot_general3A = arith.constant dense<0.000000e+00> : vector<2000x256xf32>
    %dot_general3A_5 = tpu.matmul %get3A_1, %get3A_4, %dot_general3A {dimension_numbers = #tpu.dot_dimension_numbers<[1], [0], [0], [1], [0, 0, 1, 1], [], []>, transpose_lhs_hint = false} : vector<2000x128xf32>, vector<128x256xf32>, vector<2000x256xf32> -> vector<2000x256xf32>
    %get3A_6 = arith.constant 0 : index
    %get3A_7 = vector.load %arg3[%get3A_6] : memref<256xf32, #tpu.memory_space<vmem>>, vector<256xf32>
    %broadcast_in_dim3A = vector.shape_cast %get3A_7 : vector<256xf32> to vector<1x256xf32>
    %add3A = vector.broadcast %broadcast_in_dim3A : vector<1x256xf32> to vector<2000x256xf32>
    %add3A_8 = arith.addf %dot_general3A_5, %add3A : vector<2000x256xf32>
    %max3A = arith.constant 0.000000e+00 : f32
    %max3A_9 = vector.broadcast %max3A : f32 to vector<2000x256xf32>
    %max3A_10 = arith.maximumf %add3A_8, %max3A_9 : vector<2000x256xf32>
    %get3A_11 = arith.constant 0 : index
    %get3A_12 = arith.constant 0 : index
    %get3A_13 = vector.load %arg4[%get3A_11, %get3A_12] : memref<256x256xf32, #tpu.memory_space<vmem>>, vector<256x256xf32>
    %dot_general3A_14 = arith.constant dense<0.000000e+00> : vector<2000x256xf32>
    %dot_general3A_15 = tpu.matmul %max3A_10, %get3A_13, %dot_general3A_14 {dimension_numbers = #tpu.dot_dimension_numbers<[1], [0], [0], [1], [0, 0, 1, 1], [], []>, transpose_lhs_hint = false} : vector<2000x256xf32>, vector<256x256xf32>, vector<2000x256xf32> -> vector<2000x256xf32>
    %get3A_16 = arith.constant 0 : index
    %get3A_17 = vector.load %arg5[%get3A_16] : memref<256xf32, #tpu.memory_space<vmem>>, vector<256xf32>
    %broadcast_in_dim3A_18 = vector.shape_cast %get3A_17 : vector<256xf32> to vector<1x256xf32>
    %add3A_19 = vector.broadcast %broadcast_in_dim3A_18 : vector<1x256xf32> to vector<2000x256xf32>
    %add3A_20 = arith.addf %dot_general3A_15, %add3A_19 : vector<2000x256xf32>
    %max3A_21 = arith.constant 0.000000e+00 : f32
    %max3A_22 = vector.broadcast %max3A_21 : f32 to vector<2000x256xf32>
    %max3A_23 = arith.maximumf %add3A_20, %max3A_22 : vector<2000x256xf32>
    %get3A_24 = arith.constant 0 : index
    %get3A_25 = arith.constant 0 : index
    %get3A_26 = vector.load %arg6[%get3A_24, %get3A_25] : memref<256x40xf32, #tpu.memory_space<vmem>>, vector<256x40xf32>
    %dot_general3A_27 = arith.constant dense<0.000000e+00> : vector<2000x40xf32>
    %dot_general3A_28 = tpu.matmul %max3A_23, %get3A_26, %dot_general3A_27 {dimension_numbers = #tpu.dot_dimension_numbers<[1], [0], [0], [1], [0, 0, 1, 1], [], []>, transpose_lhs_hint = false} : vector<2000x256xf32>, vector<256x40xf32>, vector<2000x40xf32> -> vector<2000x40xf32>
    %get3A_29 = arith.constant 0 : index
    %get3A_30 = vector.load %arg7[%get3A_29] : memref<40xf32, #tpu.memory_space<vmem>>, vector<40xf32>
    %broadcast_in_dim3A_31 = vector.shape_cast %get3A_30 : vector<40xf32> to vector<1x40xf32>
    %add3A_32 = vector.broadcast %broadcast_in_dim3A_31 : vector<1x40xf32> to vector<2000x40xf32>
    %add3A_33 = arith.addf %dot_general3A_28, %add3A_32 : vector<2000x40xf32>
    %swap3A = arith.constant 0 : index
    %swap3A_34 = arith.constant 0 : index
    %swap3A_35 = vector.load %arg8[%swap3A, %swap3A_34] : memref<2000x40xf32, #tpu.memory_space<vmem>>, vector<2000x40xf32>
    tpu.vector_store %arg8[%swap3A, %swap3A_34], %add3A_33 {strides = array<i32>} : memref<2000x40xf32, #tpu.memory_space<vmem>>, vector<2000x40xf32>,
    return
  }
  func.func @transform_0(%arg0: i32) -> (i32, i32) {
    %c0_i32 = arith.constant 0 : i32
    %c0_i32_0 = arith.constant 0 : i32
    return %arg0, %c0_i32 : i32, i32
  }
  func.func @transform_1(%arg0: i32) -> (i32, i32) {
    %c0_i32 = arith.constant 0 : i32
    %c0_i32_0 = arith.constant 0 : i32
    %c0_i32_1 = arith.constant 0 : i32
    return %c0_i32, %c0_i32_0 : i32, i32
  }
  func.func @transform_2(%arg0: i32) -> i32 {
    %c0_i32 = arith.constant 0 : i32
    %c0_i32_0 = arith.constant 0 : i32
    return %c0_i32 : i32
  }
  func.func @transform_3(%arg0: i32) -> (i32, i32) {
    %c0_i32 = arith.constant 0 : i32
    %c0_i32_0 = arith.constant 0 : i32
    %c0_i32_1 = arith.constant 0 : i32
    return %c0_i32, %c0_i32_0 : i32, i32
  }
  func.func @transform_4(%arg0: i32) -> i32 {
    %c0_i32 = arith.constant 0 : i32
    %c0_i32_0 = arith.constant 0 : i32
    return %c0_i32 : i32
  }
  func.func @transform_5(%arg0: i32) -> (i32, i32) {
    %c0_i32 = arith.constant 0 : i32
    %c0_i32_0 = arith.constant 0 : i32
    %c0_i32_1 = arith.constant 0 : i32
    return %c0_i32, %c0_i32_0 : i32, i32
  }
  func.func @transform_6(%arg0: i32) -> i32 {
    %c0_i32 = arith.constant 0 : i32
    %c0_i32_0 = arith.constant 0 : i32
    return %c0_i32 : i32
  }
  func.func @transform_7(%arg0: i32) -> (i32, i32) {
    %c0_i32 = arith.constant 0 : i32
    %c0_i32_0 = arith.constant 0 : i32
    return %arg0, %c0_i32 : i32, i32
  }
}

module attributes {stable_mosaic.version = 14 : i64} {
  func.func @_prep_body(%arg0: memref<2x10240xf32, #tpu.memory_space<vmem>>, %arg1: memref<10240x64xf32, #tpu.memory_space<vmem>>, %arg2: memref<10240x1xf32, #tpu.memory_space<vmem>>, %arg3: memref<2x10240x32xf32, #tpu.memory_space<vmem>>, %arg4: memref<2x10240x32xf32, #tpu.memory_space<vmem>>, %arg5: memref<2x10240x32xf32, #tpu.memory_space<vmem>>) attributes {dimension_semantics = [], scalar_prefetch = 0 : i64, scratch_operands = 0 : i64, tpu.core_type = #tpu.core_type<tc>} {
    %get3A = arith.constant 0 : index
    %get3A_0 = arith.constant 0 : index
    %get3A_1 = vector.load %arg0[%get3A, %get3A_0] : memref<2x10240xf32, #tpu.memory_space<vmem>>, vector<1x10240xf32>
    %get3A_2 = vector.shape_cast %get3A_1 : vector<1x10240xf32> to vector<10240xf32>
    %get3A_3 = arith.constant 1 : index
    %get3A_4 = arith.constant 0 : index
    %get3A_5 = vector.load %arg0[%get3A_3, %get3A_4] : memref<2x10240xf32, #tpu.memory_space<vmem>>, vector<1x10240xf32>
    %get3A_6 = vector.shape_cast %get3A_5 : vector<1x10240xf32> to vector<10240xf32>
    %add3A = arith.addf %get3A_2, %get3A_6 : vector<10240xf32>
    %jit3A = arith.constant 1.000000e+00 : f32
    %max3A = vector.broadcast %jit3A : f32 to vector<10240xf32>
    %max3A_7 = arith.maximumf %max3A, %add3A : vector<10240xf32>
    %rsqrt3A = math.rsqrt %max3A_7 : vector<10240xf32>
    %broadcast_in_dim3A = vector.shape_cast %rsqrt3A : vector<10240xf32> to vector<10240x1xf32>
    %swap3A = arith.constant 0 : index
    %swap3A_8 = arith.constant 0 : index
    %swap3A_9 = vector.load %arg2[%swap3A, %swap3A_8] : memref<10240x1xf32, #tpu.memory_space<vmem>>, vector<10240x1xf32>
    tpu.vector_store %arg2[%swap3A, %swap3A_8], %broadcast_in_dim3A {strides = array<i32>} : memref<10240x1xf32, #tpu.memory_space<vmem>>, vector<10240x1xf32>,
    %mul3A = arith.constant 0.899999976 : f32
    %mul3A_10 = vector.broadcast %mul3A : f32 to vector<10240xf32>
    %mul3A_11 = arith.mulf %mul3A_10, %rsqrt3A : vector<10240xf32>
    %mul3A_12 = arith.mulf %mul3A_11, %rsqrt3A : vector<10240xf32>
    %broadcast_in_dim3A_13 = vector.shape_cast %mul3A_12 : vector<10240xf32> to vector<10240x1xf32>
    %broadcast_in_dim3A_14 = arith.constant 1.000000e+00 : f32
    %broadcast_in_dim3A_15 = vector.broadcast %broadcast_in_dim3A_14 : f32 to vector<1x32xf32>
    %mul3A_16 = vector.broadcast %broadcast_in_dim3A_13 : vector<10240x1xf32> to vector<10240x32xf32>
    %mul3A_17 = vector.broadcast %broadcast_in_dim3A_15 : vector<1x32xf32> to vector<10240x32xf32>
    %mul3A_18 = arith.mulf %mul3A_16, %mul3A_17 : vector<10240x32xf32>
    %swap3A_19 = arith.constant 0 : index
    %swap3A_20 = arith.constant 0 : index
    %swap3A_21 = arith.constant 0 : index
    %swap3A_22 = vector.load %arg3[%swap3A_19, %swap3A_20, %swap3A_21] : memref<2x10240x32xf32, #tpu.memory_space<vmem>>, vector<1x10240x32xf32>
    %swap3A_23 = vector.shape_cast %swap3A_22 : vector<1x10240x32xf32> to vector<10240x32xf32>
    %swap3A_24 = vector.shape_cast %mul3A_18 : vector<10240x32xf32> to vector<1x10240x32xf32>
    tpu.vector_store %arg3[%swap3A_19, %swap3A_20, %swap3A_21], %swap3A_24 {strides = array<i32>} : memref<2x10240x32xf32, #tpu.memory_space<vmem>>, vector<1x10240x32xf32>,
    %broadcast_in_dim3A_25 = vector.shape_cast %mul3A_12 : vector<10240xf32> to vector<10240x1xf32>
    %broadcast_in_dim3A_26 = arith.constant 1.000000e+00 : f32
    %broadcast_in_dim3A_27 = vector.broadcast %broadcast_in_dim3A_26 : f32 to vector<1x32xf32>
    %mul3A_28 = vector.broadcast %broadcast_in_dim3A_25 : vector<10240x1xf32> to vector<10240x32xf32>
    %mul3A_29 = vector.broadcast %broadcast_in_dim3A_27 : vector<1x32xf32> to vector<10240x32xf32>
    %mul3A_30 = arith.mulf %mul3A_28, %mul3A_29 : vector<10240x32xf32>
    %swap3A_31 = arith.constant 1 : index
    %swap3A_32 = arith.constant 0 : index
    %swap3A_33 = arith.constant 0 : index
    %swap3A_34 = vector.load %arg3[%swap3A_31, %swap3A_32, %swap3A_33] : memref<2x10240x32xf32, #tpu.memory_space<vmem>>, vector<1x10240x32xf32>
    %swap3A_35 = vector.shape_cast %swap3A_34 : vector<1x10240x32xf32> to vector<10240x32xf32>
    %swap3A_36 = vector.shape_cast %mul3A_30 : vector<10240x32xf32> to vector<1x10240x32xf32>
    tpu.vector_store %arg3[%swap3A_31, %swap3A_32, %swap3A_33], %swap3A_36 {strides = array<i32>} : memref<2x10240x32xf32, #tpu.memory_space<vmem>>, vector<1x10240x32xf32>,
    %broadcast_in_dim3A_37 = vector.shape_cast %rsqrt3A : vector<10240xf32> to vector<10240x1xf32>
    %mul3A_38 = arith.constant 1.000000e-01 : f32
    %mul3A_39 = vector.broadcast %mul3A_38 : f32 to vector<10240x1xf32>
    %mul3A_40 = arith.mulf %mul3A_39, %broadcast_in_dim3A_37 : vector<10240x1xf32>
    %get3A_41 = arith.constant 0 : index
    %get3A_42 = arith.constant 0 : index
    %get3A_43 = vector.load %arg1[%get3A_41, %get3A_42] : memref<10240x64xf32, #tpu.memory_space<vmem>>, vector<10240x64xf32>
    %mul3A_44 = vector.broadcast %mul3A_40 : vector<10240x1xf32> to vector<10240x64xf32>
    %mul3A_45 = arith.mulf %mul3A_44, %get3A_43 : vector<10240x64xf32>
    %slice3A = vector.extract_strided_slice %mul3A_45 {offsets = [0, 0], sizes = [10240, 32], strides = [1, 1]} : vector<10240x64xf32> to vector<10240x32xf32>
    %swap3A_46 = arith.constant 0 : index
    %swap3A_47 = arith.constant 0 : index
    %swap3A_48 = arith.constant 0 : index
    %swap3A_49 = vector.load %arg4[%swap3A_46, %swap3A_47, %swap3A_48] : memref<2x10240x32xf32, #tpu.memory_space<vmem>>, vector<1x10240x32xf32>
    %swap3A_50 = vector.shape_cast %swap3A_49 : vector<1x10240x32xf32> to vector<10240x32xf32>
    %swap3A_51 = vector.shape_cast %slice3A : vector<10240x32xf32> to vector<1x10240x32xf32>
    tpu.vector_store %arg4[%swap3A_46, %swap3A_47, %swap3A_48], %swap3A_51 {strides = array<i32>} : memref<2x10240x32xf32, #tpu.memory_space<vmem>>, vector<1x10240x32xf32>,
    %slice3A_52 = vector.extract_strided_slice %mul3A_45 {offsets = [0, 32], sizes = [10240, 32], strides = [1, 1]} : vector<10240x64xf32> to vector<10240x32xf32>
    %swap3A_53 = arith.constant 1 : index
    %swap3A_54 = arith.constant 0 : index
    %swap3A_55 = arith.constant 0 : index
    %swap3A_56 = vector.load %arg4[%swap3A_53, %swap3A_54, %swap3A_55] : memref<2x10240x32xf32, #tpu.memory_space<vmem>>, vector<1x10240x32xf32>
    %swap3A_57 = vector.shape_cast %swap3A_56 : vector<1x10240x32xf32> to vector<10240x32xf32>
    %swap3A_58 = vector.shape_cast %slice3A_52 : vector<10240x32xf32> to vector<1x10240x32xf32>
    tpu.vector_store %arg4[%swap3A_53, %swap3A_54, %swap3A_55], %swap3A_58 {strides = array<i32>} : memref<2x10240x32xf32, #tpu.memory_space<vmem>>, vector<1x10240x32xf32>,
    %slice3A_59 = vector.extract_strided_slice %mul3A_45 {offsets = [0, 0], sizes = [10240, 32], strides = [1, 1]} : vector<10240x64xf32> to vector<10240x32xf32>
    %mul3A_60 = arith.constant 1.000000e+01 : f32
    %mul3A_61 = vector.broadcast %mul3A_60 : f32 to vector<10240x32xf32>
    %mul3A_62 = arith.mulf %mul3A_61, %slice3A_59 : vector<10240x32xf32>
    %swap3A_63 = arith.constant 0 : index
    %swap3A_64 = arith.constant 0 : index
    %swap3A_65 = arith.constant 0 : index
    %swap3A_66 = vector.load %arg5[%swap3A_63, %swap3A_64, %swap3A_65] : memref<2x10240x32xf32, #tpu.memory_space<vmem>>, vector<1x10240x32xf32>
    %swap3A_67 = vector.shape_cast %swap3A_66 : vector<1x10240x32xf32> to vector<10240x32xf32>
    %swap3A_68 = vector.shape_cast %mul3A_62 : vector<10240x32xf32> to vector<1x10240x32xf32>
    tpu.vector_store %arg5[%swap3A_63, %swap3A_64, %swap3A_65], %swap3A_68 {strides = array<i32>} : memref<2x10240x32xf32, #tpu.memory_space<vmem>>, vector<1x10240x32xf32>,
    %slice3A_69 = vector.extract_strided_slice %mul3A_45 {offsets = [0, 32], sizes = [10240, 32], strides = [1, 1]} : vector<10240x64xf32> to vector<10240x32xf32>
    %mul3A_70 = arith.constant 1.000000e+01 : f32
    %mul3A_71 = vector.broadcast %mul3A_70 : f32 to vector<10240x32xf32>
    %mul3A_72 = arith.mulf %mul3A_71, %slice3A_69 : vector<10240x32xf32>
    %swap3A_73 = arith.constant 1 : index
    %swap3A_74 = arith.constant 0 : index
    %swap3A_75 = arith.constant 0 : index
    %swap3A_76 = vector.load %arg5[%swap3A_73, %swap3A_74, %swap3A_75] : memref<2x10240x32xf32, #tpu.memory_space<vmem>>, vector<1x10240x32xf32>
    %swap3A_77 = vector.shape_cast %swap3A_76 : vector<1x10240x32xf32> to vector<10240x32xf32>
    %swap3A_78 = vector.shape_cast %mul3A_72 : vector<10240x32xf32> to vector<1x10240x32xf32>
    tpu.vector_store %arg5[%swap3A_73, %swap3A_74, %swap3A_75], %swap3A_78 {strides = array<i32>} : memref<2x10240x32xf32, #tpu.memory_space<vmem>>, vector<1x10240x32xf32>,
    return
  }
}

module attributes {stable_mosaic.version = 14 : i64} {
  func.func @_fin_body(%arg0: i32, %arg1: memref<2000x40xf32, #tpu.memory_space<vmem>>, %arg2: memref<2000x40xf32, #tpu.memory_space<vmem>>, %arg3: memref<2000x1xf32, #tpu.memory_space<vmem>>, %arg4: memref<2000x40xf32, #tpu.memory_space<vmem>>) attributes {dimension_semantics = [#tpu.dimension_semantics<arbitrary>], iteration_bounds = array<i64: 5>, scalar_prefetch = 0 : i64, scratch_operands = 0 : i64, tpu.core_type = #tpu.core_type<tc>, window_params = [{transform_indices = @transform_0, window_bounds = array<i64: 2000, 40>}, {transform_indices = @transform_1, window_bounds = array<i64: 2000, 40>}, {transform_indices = @transform_2, window_bounds = array<i64: 2000, 1>}, {transform_indices = @transform_3, window_bounds = array<i64: 2000, 40>}]} {
    %get3A = arith.constant 0 : index
    %get3A_0 = arith.constant 0 : index
    %get3A_1 = vector.load %arg3[%get3A, %get3A_0] : memref<2000x1xf32, #tpu.memory_space<vmem>>, vector<2000x1xf32>
    %mul3A = arith.constant 0.899999976 : f32
    %mul3A_2 = vector.broadcast %mul3A : f32 to vector<2000x1xf32>
    %mul3A_3 = arith.mulf %mul3A_2, %get3A_1 : vector<2000x1xf32>
    %get3A_4 = arith.constant 0 : index
    %get3A_5 = arith.constant 0 : index
    %get3A_6 = vector.load %arg1[%get3A_4, %get3A_5] : memref<2000x40xf32, #tpu.memory_space<vmem>>, vector<2000x40xf32>
    %mul3A_7 = vector.broadcast %mul3A_3 : vector<2000x1xf32> to vector<2000x40xf32>
    %mul3A_8 = arith.mulf %mul3A_7, %get3A_6 : vector<2000x40xf32>
    %get3A_9 = arith.constant 0 : index
    %get3A_10 = arith.constant 0 : index
    %get3A_11 = vector.load %arg2[%get3A_9, %get3A_10] : memref<2000x40xf32, #tpu.memory_space<vmem>>, vector<2000x40xf32>
    %mul3A_12 = arith.constant 1.000000e-01 : f32
    %mul3A_13 = vector.broadcast %mul3A_12 : f32 to vector<2000x40xf32>
    %mul3A_14 = arith.mulf %mul3A_13, %get3A_11 : vector<2000x40xf32>
    %add3A = arith.addf %mul3A_8, %mul3A_14 : vector<2000x40xf32>
    %reduce_max3A = arith.constant dense<0xFF800000> : vector<2000xf32>
    %reduce_max3A_15 = vector.multi_reduction <maximumf>, %add3A, %reduce_max3A [1] : vector<2000x40xf32> to vector<2000xf32>
    %broadcast_in_dim3A = vector.shape_cast %reduce_max3A_15 : vector<2000xf32> to vector<2000x1xf32>
    %sub3A = vector.broadcast %broadcast_in_dim3A : vector<2000x1xf32> to vector<2000x40xf32>
    %sub3A_16 = arith.subf %add3A, %sub3A : vector<2000x40xf32>
    %exp3A = math.exp %sub3A_16 : vector<2000x40xf32>
    %reduce_sum3A = arith.constant dense<0.000000e+00> : vector<2000xf32>
    %reduce_sum3A_17 = vector.multi_reduction <add>, %exp3A, %reduce_sum3A [1] : vector<2000x40xf32> to vector<2000xf32>
    %broadcast_in_dim3A_18 = vector.shape_cast %reduce_sum3A_17 : vector<2000xf32> to vector<2000x1xf32>
    %log3A = math.log %broadcast_in_dim3A_18 : vector<2000x1xf32>
    %sub3A_19 = vector.broadcast %log3A : vector<2000x1xf32> to vector<2000x40xf32>
    %sub3A_20 = arith.subf %sub3A_16, %sub3A_19 : vector<2000x40xf32>
    %swap3A = arith.constant 0 : index
    %swap3A_21 = arith.constant 0 : index
    %swap3A_22 = vector.load %arg4[%swap3A, %swap3A_21] : memref<2000x40xf32, #tpu.memory_space<vmem>>, vector<2000x40xf32>
    tpu.vector_store %arg4[%swap3A, %swap3A_21], %sub3A_20 {strides = array<i32>} : memref<2000x40xf32, #tpu.memory_space<vmem>>, vector<2000x40xf32>,
    return
  }
  func.func @transform_0(%arg0: i32) -> (i32, i32) {
    %c0_i32 = arith.constant 0 : i32
    %c0_i32_0 = arith.constant 0 : i32
    return %arg0, %c0_i32 : i32, i32
  }
  func.func @transform_1(%arg0: i32) -> (i32, i32) {
    %c0_i32 = arith.constant 0 : i32
    %c0_i32_0 = arith.constant 0 : i32
    return %arg0, %c0_i32 : i32, i32
  }
  func.func @transform_2(%arg0: i32) -> (i32, i32) {
    %c0_i32 = arith.constant 0 : i32
    %c0_i32_0 = arith.constant 0 : i32
    return %arg0, %c0_i32 : i32, i32
  }
  func.func @transform_3(%arg0: i32) -> (i32, i32) {
    %c0_i32 = arith.constant 0 : i32
    %c0_i32_0 = arith.constant 0 : i32
    return %arg0, %c0_i32 : i32, i32
  }
}

</mosaic_0001>

<sc_bundles>
// kernel: kernel.10.cloned.1.call-start
scs
__scs_entry_jumppad:
0x0: {  	(pc) =	sbr.rel $0x88, $3  }
0x1: {  	(tag) =	ssettag $0x0;
	lr =	simm.s32 $0x1  }
0x2: {  	[smem:$0x3F97] =	sst lr;
	_ =	strace $0xD0000000  }
0x3: {  	_ = 	snop  }
0x4: {  	_ = 	snop  }
0x5: {  	_ = 	snop  }
0x6: {  	_ = 	snop  }
0x7: {  	_ = 	snop  }
__scs_overlays_trampoline_lowered:
0x8: {  	[smem:$0x3FA6] =	sst s0  }
0x9: {  	[smem:$0x3FA7] =	sst s1  }
0xa: {  	[smem:$0x3FA8] =	sst s2  }
0xb: {  	[smem:$0x3FA9] =	sst s3  }
0xc: {  	[smem:$0x3FAA] =	sst s4  }
0xd: {  	[smem:$0x3FAB] =	sst s5  }
0xe: {  	[smem:$0x3FAC] =	sst s6  }
0xf: {  	[smem:$0x3FAD] =	sst s7  }
0x10: {  	[smem:$0x3FAE] =	sst s8  }
0x11: {  	[smem:$0x3FAF] =	sst s9;
	s0 =	simm.s32 @!p0 $0x0  }
0x12: {  	s1 =	sld [smem:$0x3F95];
	s0 =	simm.s32 @p0 $0x1  }
0x13: {  	[smem:$0x3FB0] =	sst s0;
	s0 =	simm.s32 @!p1 $0x0  }
0x14: {  	s2 =	sld [smem:$0x3F94];
	s0 =	simm.s32 @p1 $0x1  }
0x15: {  	[smem:$0x3FB1] =	sst s0;
	s0 =	simm.s32 @!p2 $0x0  }
0x16: {  	s3 =	sld [smem:$0x3FDB];
	s0 =	simm.s32 @p2 $0x1  }
0x17: {  	s4 =	simm.s32 $0x1BF5;
	[smem:$0x3FB3] =	sst s0  }
0x18: {  	s0 =	sld [smem:$0x3F96];
	_ =	swait.ge [sflag:s4], $0x0  }
0x19: {  	s7 =	sld [smem:$0x3F97]  }
0x1a: {  	s8 =	sadd.s32 $0xFFFFE003, lr  }
0x1b: {  	s9 =	sadd.s32 $0xFFFFFEF7, lr;
	s5 =	simm.s32 $0xFFFFFFFF;
	p2 =	slt.u32 s8, $0xFFFFF086  }
0x1c: {  	p1 =	slt.u32 s9, $0xF7A;
	s5 =	simm.s32 @!p2 $0x0  }
0x1d: {  	s5 =	simm.s32 @p1 $0x1;
	p0 =	seq.s32 s7, s2  }
0x1e: {  	s7 =	smul.u32 @!p0 $0xF7A, s2;
	p2 =	seq.s32 @!p0 s5, $0x0  }
0x1f: {  	s9 =	smul.u32 $0xF7A, s1;
	s8 =	simm.s32 @!p0 $0x1BF5;
	p2 =	por !p2, p0  }
0x20: {  	[sflag:s8] =	ssyncset.s32 @!p0 $0xFFFFF086;
	s6 =	sadd.s32 @!p0 s3, s7;
	s7 =	simm.s32 @!p0 $0x108  }
0x21: {  	s3 =	sadd.s32 s3, s9;
	s6 =	sadd.s32 @!p0 $0x88, s6;
	s7 =	simm.s32 @p2 $0x1082  }
0x22: {  	[simem:s7], [sflag:s8] =	dma.local @!p0 [hbm:s6], $0xF7A  }
0x23: {  	s9 =	sor.u32 $0xD0000000, s2;
	s6 =	simm.s32 $0x108;
	_ =	swait.ge @!p0 [sflag:s8], $0x0  }
0x24: {  	s3 =	sadd.s32 $0x88, s3;
	s6 =	simm.s32 @!p1 $0x1082;
	[sflag:s4] =	ssyncset.s32 $0xFFFFF086  }
0x25: {  	[simem:s6], [sflag:s4] =	dma.local [hbm:s3], $0xF7A  }
0x26: {  	[smem:$0x3F97] =	sst s1;
	(tag) =	ssettag s2;
	_ =	strace s9  }
0x27: {  	s1 =	sld [smem:$0x3FA7]  }
0x28: {  	s2 =	sld [smem:$0x3FA8]  }
0x29: {  	s4 =	sld [smem:$0x3FAA]  }
0x2a: {  	p0 =	seq.s32 s5, $0x0;
	s5 =	sld [smem:$0x3FAB]  }
0x2b: {  	s6 =	sld [smem:$0x3FAC]  }
0x2c: {  	s7 =	sld [smem:$0x3FAD]  }
0x2d: {  	s3 =	simm.s32 $0x108;
	s8 =	sld [smem:$0x3FAE]  }
0x2e: {  	s3 =	simm.s32 @!p0 $0x1082;
	s9 =	sld [smem:$0x3FAF]  }
0x2f: {  	lr =	sadd.s32 s0, s3;
	s0 =	sld [smem:$0x3FA6]  }
0x30: {  	s3 =	sld [smem:$0x3FA9]  }
0x31: {  	[smem:$0x3FB2] =	sst s10  }
0x32: {  	s10 =	sld [smem:$0x3FB0];
	_ =	sdelay $0x3  }
0x33: {  	p0 =	seq.s32 s10, $0x1;
	s10 =	sld [smem:$0x3FB2];
	_ =	sdelay $0x3  }
0x34: {  	[smem:$0x3FB2] =	sst s10  }
0x35: {  	s10 =	sld [smem:$0x3FB1];
	_ =	sdelay $0x3  }
0x36: {  	p1 =	seq.s32 s10, $0x1;
	s10 =	sld [smem:$0x3FB2];
	_ =	sdelay $0x3  }
0x37: {  	[smem:$0x3FB2] =	sst s10  }
0x38: {  	s10 =	sld [smem:$0x3FB3]  }
0x39: {  	_ = 	snop;
	(pc) =	sbr.ind lr, $3  }
0x3a: {  	_ = 	snop  }
0x3b: {  	_ = 	snop  }
0x3c: {  	p2 =	seq.s32 s10, $0x1;
	s10 =	sld [smem:$0x3FB2]  }
0x3d: {  	_ =	shalt  }
0x3e: {  	_ =	shalt  }
0x3f: {  	_ =	shalt  }
0x40: {  	_ =	shalt  }
0x41: {  	_ =	shalt  }
0x42: {  	_ =	shalt  }
0x43: {  	_ =	shalt  }
0x44: {  	_ =	shalt  }
0x45: {  	_ =	shalt  }
0x46: {  	_ =	shalt  }
0x47: {  	_ =	shalt  }
0x48: {  	_ =	shalt  }
0x49: {  	_ =	shalt  }
0x4a: {  	_ =	shalt  }
0x4b: {  	_ =	shalt  }
0x4c: {  	_ =	shalt  }
0x4d: {  	_ =	shalt  }
0x4e: {  	_ =	shalt  }
0x4f: {  	_ =	shalt  }
0x50: {  	_ =	shalt  }
0x51: {  	_ =	shalt  }
0x52: {  	_ =	shalt  }
0x53: {  	_ =	shalt  }
0x54: {  	_ =	shalt  }
0x55: {  	_ =	shalt  }
0x56: {  	_ =	shalt  }
0x57: {  	_ =	shalt  }
0x58: {  	_ =	shalt  }
0x59: {  	_ =	shalt  }
0x5a: {  	_ =	shalt  }
0x5b: {  	_ =	shalt  }
0x5c: {  	_ =	shalt  }
0x5d: {  	_ =	shalt  }
0x5e: {  	_ =	shalt  }
0x5f: {  	_ =	shalt  }
0x60: {  	_ =	shalt  }
0x61: {  	_ =	shalt  }
0x62: {  	_ =	shalt  }
0x63: {  	_ =	shalt  }
0x64: {  	_ =	shalt  }
0x65: {  	_ =	shalt  }
0x66: {  	_ =	shalt  }
0x67: {  	_ =	shalt  }
0x68: {  	_ =	shalt  }
0x69: {  	_ =	shalt  }
0x6a: {  	_ =	shalt  }
0x6b: {  	_ =	shalt  }
0x6c: {  	_ =	shalt  }
0x6d: {  	_ =	shalt  }
0x6e: {  	_ =	shalt  }
0x6f: {  	_ =	shalt  }
0x70: {  	_ =	shalt  }
0x71: {  	_ =	shalt  }
0x72: {  	_ =	shalt  }
0x73: {  	_ =	shalt  }
0x74: {  	_ =	shalt  }
0x75: {  	_ =	shalt  }
0x76: {  	_ =	shalt  }
0x77: {  	_ =	shalt  }
0x78: {  	_ =	shalt  }
0x79: {  	_ =	shalt  }
0x7a: {  	_ =	shalt  }
0x7b: {  	_ =	shalt  }
0x7c: {  	_ =	shalt  }
0x7d: {  	_ =	shalt  }
0x7e: {  	_ =	shalt  }
0x7f: {  	_ =	shalt  }
0x80: {  	_ =	shalt  }
0x81: {  	_ =	shalt  }
0x82: {  	_ =	shalt  }
0x83: {  	_ =	shalt  }
0x84: {  	_ =	shalt  }
0x85: {  	_ =	shalt  }
0x86: {  	_ =	shalt  }
0x87: {  	_ =	shalt  }
.Lfunc_end0:
.L_simem_size_0:
called_computation.1_lowered:
.L_overlay_start_0:
0x88: {  	s2 =	sld [smem:$0x3FD9]  }
0x89: {  	s3 =	sld [smem:$0x3FFE];
	_ =	sdelay $0x1  }
0x8a: {  	s1 =	srdreg.scid  }
0x8b: {  	s0 =	sand.u32 $0x1, s1  }
0x8c: {  	s14 =	sshll.u32 s0, $0xA;
	s2 =	sadd.s32 s3, s2  }
0x8d: {  	s2 =	sadd.s32 s2, s14  }
0x8e: {  	[smem:$0x3FBE] =	sst s2  }
0x8f: {  	_ = 	snop  }
0x90: {  	s2 =	sld [smem:$0x3FD0];
	_ =	sdelay $0x2  }
0x91: {  	s15 =	simm.s32 $0xA;
	s4 =	simm.s32 $0x10  }
0x92: {  	[smem:s4], [sflag:s15] =	dma.local [hbm:s2], $0x1  }
0x93: {  	_ =	swait.eq [sflag:s15], $0x1  }
0x94: {  	[sflag:s15] =	ssyncset.done $0x0  }
0x95: {  	[sflag:s15] =	ssyncadd.s32 $0xFFFFFFFF  }
0x96: {  	s16 =	sld [smem:$0x10];
	(tm) =	ssettm $0x1  }
0x97: {  	s17 =	sld [smem:$0x3FFB];
	_ =	sdelay $0x3  }
0x98: {  	_ =	strace s17  }
0x99: {  	s3 =	sld [smem:$0x3FFC];
	_ =	sdelay $0x3  }
0x9a: {  	_ =	strace s3  }
0x9b: {  	s3 =	sld [smem:$0x3FFD];
	_ =	sdelay $0x3  }
0x9c: {  	_ =	strace s3  }
0x9d: {  	_ =	strace $0x8FFFFFFF  }
0x9e: {  	s18 =	sld [smem:$0x3FDB];
	_ =	sdelay $0x1  }
0x9f: {  	s19 =	simm.s32 $_scs_section_size  }
0xa0: {  	s5 =	simm.s32 $_size__tile_overlayer_lowered;
	s6 =	simm.s32 $_tile_overlayer_lowered  }
0xa1: {  	s22 =	simm.s32 $0x1BFF;
	s21 =	sshll.u32 s6, $0x1;
	s3 =	sadd.s32 s19, s18  }
0xa2: {  	s7 =	simm.s32 $0x0;
	s20 =	sshll.u32 s5, $0x1;
	s5 =	sadd.s32 s21, s3  }
0xa3: {  	[timem:s7], [sflag:s22] =	dma.local [hbm:s5], s20  }
0xa4: {  	_ =	swait.ge [sflag:s22], s20  }
0xa5: {  	s4 =	ssub.s32 $0x0, s20;
	[sflag:s22] =	ssyncset.done $0x0  }
0xa6: {  	[sflag:s22] =	ssyncadd.s32 s4;
	_ =	sdelay $0x1  }
0xa7: {  	s23 =	simm.s32 $0x1B8B  }
0xa8: {  	_ =	swait.ge [sflag:s23], $0x1  }
0xa9: {  	[sflag:s23] =	ssyncset.done $0x0  }
0xaa: {  	s25 =	simm.s32 $0x1B8E;
	s24 =	sld [smem:$0x3FFE];
	[sflag:s23] =	ssyncadd.s32 $0xFFFFFFFF  }
0xab: {  	s26 =	simm.s32 $execute0_lowered;
	[smem:$0x3FD2] =	sst s25  }
0xac: {  	s5 =	sshll.u32 s26, $0x1;
	_ =	strace $0x80000049;
	[dreg:$0x1] =	wrdreg $0xFFFFFFFF  }
0xad: {  	s28 =	simm.s32 $_size_execute0_lowered;
	s3 =	sadd.s32 s3, s5;
	[dreg:$0x0] =	wrdreg $0x0  }
0xae: {  	s5 =	sshll.u32 s28, $0x1;
	[dreg:$0x2] =	wrdreg s3  }
0xaf: {  	[dreg:$0x3] =	wrdreg s5  }
0xb0: {  	[dreg:$0x4] =	wrdreg $0xC0  }
0xb1: {  	_ =	task [dreg:s7], $0x5FFFF  }
0xb2: {  	[dreg:$0x1] =	wrdreg $0xFFFFFFFF  }
0xb3: {  	[dreg:$0x0] =	wrdreg $0x60  }
0xb4: {  	[dreg:$0x2] =	wrdreg s24  }
0xb5: {  	[dreg:$0x3] =	wrdreg s16  }
0xb6: {  	[dreg:$0x4] =	wrdreg $0x1A9A00  }
0xb7: {  	[dreg:$0x5] =	wrdreg $0x9  }
0xb8: {  	_ =	task.clear_ibuf [dreg:s7], $0x6FFFF;
	_ =	strace $0x90000049  }
0xb9: {  	s29 =	simm.s32 $0x9;
	_ =	strace $0x8000004B  }
0xba: {  	_ =	swait.ge [sflag:s29], $0x1  }
0xbb: {  	[sflag:s29] =	ssyncadd.s32 $0xFFFFFFFF  }
0xbc: {  	_ =	strace $0x9000004B  }
0xbd: {  	_ =	sfence  }
0xbe: {  	s30 =	sld [smem:$0x0];
	_ =	sdelay $0x2  }
0xbf: {  	s31 =	sshll.u32 s1, $0xD;
	s1 =	sshrl.u32 s1, $0x2  }
0xc0: {  	s3 =	sand.u32 $0x4000, s31;
	s1 =	sadd.s32 s1, s30  }
0xc1: {  	s0 =	sor.u32 s3, s0;
	s1 =	sshll.u32 s1, $0x11  }
0xc2: {  	s0 =	sor.u32 s1, s0  }
0xc3: {  	s0 =	sadd.s32 $0x8F2B, s0  }
0xc4: {  	[sflag:s0] =	ssyncadd.remote.s32 $0x1  }
0xc5: {  	_ =	sfence.sel $0xFFFF  }
0xc6: {  	[dreg:$0x0] =	wrdreg $0xFFFFFFFF;
	(pc) =	sbr.abs _section_cstart, $3  }
0xc7: {  	[dreg:$0x1] =	wrdreg $0xFFFFFFFF  }
0xc8: {  	_ =	task.clear_ibuf [dreg:s7], $0x2FFFF;
	_ =	strace $0x9FFFFFFF  }
0xc9: {  	(tm) =	ssettm $0x7FFFFFFF  }
tec
execute0_lowered:
.L_overlay_start_1:
0x0: {  	(tag) =	ssettag $0x1  }
0x1: {  	s1 =	rddreg [dreg:$0x0]  }
0x2: {  	s3 =	rddreg [dreg:$0x1]  }
0x3: {  	s0 =	srdreg.scid;
	s4 =	rddreg [dreg:$0x2]  }
0x4: {  	s2 =	rddreg [dreg:$0x3];
	s5 =	simm.s32 $0x0;
	s15 =	simm.s32 $0x109A0  }
0x5: {  	s16 =	simm.s32 $0x2;
	s17 =	simm.s32 $0x159A0;
	s18 =	simm.s32 $0xFA0  }
0x6: {  	s20 =	simm.s32 $0x1;
	s6 =	sand.u32 $0x1, s0;
	s0 =	stileid.u32  }
0x7: {  	s21 =	simm.s32 $0x0;
	[smem:$0x7FF] =	sst s5;
	s19 =	smul.u32 $0x2800, s6  }
0x8: {  	s26 =	simm.s32 $0x0;
	s7 =	smul.u32 $0x280, s0;
	_ =	strace $0x8000004A  }
0x9: {  	s31 =	ssub.s32 $0x2, s6;
	s11 =	smul.u32 $0x14000, s0;
	s6 =	sadd.s32 $0x31E00, s1  }
0xa: {  	s12 =	smul.u32 $0x2710, s0;
	s8 =	sshrl.u32 s31, $0x1;
	s7 =	sadd.s32 s7, s19  }
0xb: {  	s14 =	ssub.s32 s31, s8;
	s11 =	sshrl.u32 s11, $0x2;
	s10 =	sshll.u32 s7, $0x2  }
0xc: {  	v0 =	vmov s19;
	s19 =	simm.s32 $0x7D0;
	s11 =	sadd.s32 s11, s4;
	s13 =	sadd.s32 s10, s1  }
0xd: {  	s14 =	smax.u32 s14, $0x1;
	s10 =	sadd.s32 s6, s10;
	s7 =	sadd.s32 $0x9E00, s13  }
0xe: {  	v1 =	vimm.f32 $0.0e+00;
	s8 =	sadd.s32 $0x1DE00, s13;
	s9 =	sadd.s32 $0xA9E00, s13;
	s13 =	sadd.s32 $0x45E00, s13  }
.LBB2_1:
0xf: {  	[tilespmem:s15], [sflag:$0x2] =	stream.linear.gather [hbm4b:s7+s5], $0x5000, $0x38;
	[tilespmem:$0x1F9A0] =	vst v63  }
0x10: {  	_ =	swait.ge [sflag:s16], $0x5000  }
0x11: {  	[sflag:s16] =	ssyncset.done $0x0  }
0x12: {  	[sflag:s16] =	ssyncadd.s32 $0xFFFFB000  }
0x13: {  	[tilespmem:s17], [sflag:$0x2] =	stream.linear.gather [hbm4b:s8+s5], $0x5000, $0x38;
	[tilespmem:$0x1F9A0] =	vst v63  }
0x14: {  	_ =	swait.ge [sflag:s16], $0x5000  }
0x15: {  	[sflag:s16] =	ssyncset.done $0x0  }
0x16: {  	[sflag:s16] =	ssyncadd.s32 $0xFFFFB000  }
0x17: {  	[tilespmem:s18], [sflag:$0x2] =	stream.linear.gather [hbm4b:s9+s5], $0x5000, $0x38;
	[tilespmem:$0x1F9A0] =	vst v63  }
0x18: {  	_ =	swait.ge [sflag:s16], $0x5000  }
0x19: {  	[sflag:s16] =	ssyncset.done $0x0  }
0x1a: {  	[sflag:s16] =	ssyncadd.s32 $0xFFFFB000  }
0x1b: {  	[hbm4b:s10+s5] =	stream.linear.scatter [tilespmem:s18], [sflag:$0x2], $0x5000, $0x38;
	[tilespmem:$0x1F9A0] =	vst v63  }
0x1c: {  	_ =	swait.ge [sflag:s16], $0x5000  }
0x1d: {  	[sflag:s16] =	ssyncset.done $0x0  }
0x1e: {  	s22 =	simm.s32 $0x80;
	s23 =	simm.s32 $0x0;
	[sflag:s16] =	ssyncadd.s32 $0xFFFFB000  }
.LBB2_2:
0x1f: {  	p0 =	sne.s32 s22, $0x13F80;
	[tilespmem:s23+$0xFA0] =	vst v1;
	s24 =	smov.u32 s22;
	s22 =	sadd.s32 $0x80, s22  }
.Ltmp0:
0x20: {  	[tilespmem:s23+$0xFB0] =	vst v1;
	(pc) =	sbr.rel @p0 .LBB2_2-.Ltmp0, $2  }
0x21: {  	_ =	sdelay $0x2  }
0x22: {  	s23 =	sshra.s32 s24, $0x2  }
0x23: {  	[tilespmem:s23+$0xFA0] =	vst v1  }
0x24: {  	[tilespmem:s23+$0xFB0] =	vst v1  }
0x25: {  	[spmem:s11] =	stream.linear.scatter [tilespmem:s18], [sflag:$0x2], $0x5000, $0x38;
	[tilespmem:$0x1F9A0] =	vst v63  }
0x26: {  	_ =	swait.ge [sflag:s16], $0x5000  }
0x27: {  	[sflag:s16] =	ssyncset.done $0x0  }
0x28: {  	[sflag:s16] =	ssyncadd.s32 $0xFFFFB000  }
0x29: {  	s22 =	simm.s32 $0x0;
	[bflag:$0x0] =	sbarrier.arrive $0xFFFF  }
.LBB2_4:
0x2a: {  	s23 =	simm.s32 $0x0  }
.LBB2_5:
0x2b: {  	s24 =	smul.u32 $0x7D0, s23;
	_ =	sdelay $0x1  }
0x2c: {  	s24 =	sadd.s32 s12, s24  }
0x2d: {  	s24 =	sshrl.u32 s24, $0x3  }
0x2e: {  	s25 =	sadd.s32 s1, s24  }
0x2f: {  	[tilespmem:s26], [sflag:$0x2] =	stream.linear.gather [hbm4b:s25+s26], $0x7D0, $0x38;
	[tilespmem:$0x1F9A0] =	vst v63  }
0x30: {  	_ =	swait.ge [sflag:s16], $0x7D0  }
0x31: {  	[sflag:s16] =	ssyncset.done $0x0  }
0x32: {  	s24 =	sadd.s32 s3, s24;
	[sflag:s16] =	ssyncadd.s32 $0xFFFFF830  }
0x33: {  	[tilespmem:s19], [sflag:$0x2] =	stream.linear.gather [hbm4b:s24+s26], $0x7D0, $0x38;
	[tilespmem:$0x1F9A0] =	vst v63  }
0x34: {  	_ =	swait.ge [sflag:s16], $0x7D0  }
0x35: {  	[sflag:s16] =	ssyncset.done $0x0  }
0x36: {  	s25 =	simm.s32 $0x40;
	s24 =	simm.s32 $0x0;
	[sflag:s16] =	ssyncadd.s32 $0xFFFFF830  }
.LBB2_6:
0x37: {  	p0 =	sne.s32 s25, $0x1F00;
	v2 =	vld [tilespmem:s24+$0x0];
	_ =	sdelay $0x1  }
.Ltmp1:
0x38: {  	(pc) =	sbr.rel @p0 .LBB2_6-.Ltmp1, $3  }
0x39: {  	_ =	sdelay $0x1  }
0x3a: {  	v2 =	vadd.s32 v0, v2  }
0x3b: {  	[tilespmem:s24+$0x0] =	vst v2;
	s24 =	sshra.s32 s25, $0x2;
	s25 =	sadd.s32 $0x40, s25  }
0x3c: {  	v2 =	vld [tilespmem:s24+$0x0];
	_ =	sdelay $0x4  }
0x3d: {  	v2 =	vadd.s32 v0, v2  }
0x3e: {  	[tilespmem:s24+$0x0] =	vst v2  }
0x3f: {  	[tilespmem:s18], [sflag:$0x1] =	stream.indirect.gather [hbm4b:s6+s19], $0x20, s5, s19, $0xb8;
	[tilespmem:$0x1F9A0] =	vst v63  }
0x40: {  	s23 =	sadd.s32 $0x1, s23;
	_ =	swait.ge [sflag:s20], $0xFA00  }
0x41: {  	p0 =	sne.s32 s23, $0x5;
	[sflag:s20] =	ssyncset.done $0x0  }
.Ltmp2:
0x42: {  	[sflag:s20] =	ssyncadd.s32 $0xFFFF0600;
	(pc) =	sbr.rel @p0 .LBB2_5-.Ltmp2, $4  }
0x43: {  	[spmem:s4] =	stream.indirect.scatter.add.f32 [tilespmem:s18], [sflag:$0x2], $0x20, s19, s19, $0xb8;
	[tilespmem:$0x1F9A0] =	vst v63  }
0x44: {  	_ =	swait.ge [sflag:s16], $0xFA00  }
0x45: {  	[sflag:s16] =	ssyncset.done $0x0  }
0x46: {  	[sflag:s16] =	ssyncadd.s32 $0xFFFF0600  }
0x47: {  	[bflag:$0x0] =	sbarrier.arrive $0xFFFF  }
0x48: {  	[tilespmem:s18], [sflag:$0x2] =	stream.linear.gather [spmem:s11], $0x5000, $0x38;
	[tilespmem:$0x1F9A0] =	vst v63  }
0x49: {  	_ =	swait.ge [sflag:s16], $0x5000  }
0x4a: {  	[sflag:s16] =	ssyncset.done $0x0  }
0x4b: {  	s23 =	simm.s32 $0x0;
	[sflag:s16] =	ssyncadd.s32 $0xFFFFB000  }
0x4c: {  	v2 =	vld [tilespmem:s23+$0x109A0]  }
0x4d: {  	v3 =	vld [tilespmem:s23+$0x109B0]  }
0x4e: {  	s24 =	simm.s32 $0x80;
	v4 =	vld [tilespmem:s23+$0xFA0]  }
.LBB2_9:
0x4f: {  	p0 =	sne.s32 s24, $0x13F80;
	v5 =	vld [tilespmem:s23+$0xFB0]  }
0x50: {  	v6 =	vld [tilespmem:s23+$0x159A0]  }
0x51: {  	v7 =	vld [tilespmem:s23+$0x159B0];
	_ =	sdelay $0x1  }
0x52: {  	v2 =	vmul.f32 v4, v2  }
.Ltmp3:
0x53: {  	v3 =	vmul.f32 v5, v3;
	(pc) =	sbr.rel @p0 .LBB2_9-.Ltmp3, $4  }
0x54: {  	s25 =	sshra.s32 s24, $0x2;
	v4 =	vadd.f32 v6, v2  }
0x55: {  	v2 =	vld [tilespmem:s25+$0x109A0];
	v5 =	vadd.f32 v7, v3  }
0x56: {  	v3 =	vld [tilespmem:s25+$0x109B0];
	[tilespmem:s23+$0xFA0] =	vst v4  }
0x57: {  	s24 =	sadd.s32 $0x80, s24;
	v4 =	vld [tilespmem:s25+$0xFA0];
	[tilespmem:s23+$0xFB0] =	vst v5;
	s23 =	smov.u32 s25  }
0x58: {  	v5 =	vld [tilespmem:s23+$0xFB0]  }
0x59: {  	v6 =	vld [tilespmem:s23+$0x159A0]  }
0x5a: {  	v7 =	vld [tilespmem:s23+$0x159B0];
	_ =	sdelay $0x1  }
0x5b: {  	v2 =	vmul.f32 v4, v2  }
0x5c: {  	v3 =	vmul.f32 v5, v3  }
0x5d: {  	v2 =	vadd.f32 v6, v2  }
0x5e: {  	v3 =	vadd.f32 v7, v3  }
0x5f: {  	[tilespmem:s23+$0xFA0] =	vst v2  }
0x60: {  	s31 =	simm.s32 $0x0;
	[tilespmem:s23+$0xFB0] =	vst v3  }
0x61: {  	[hbm4b:s10+s31] =	stream.linear.scatter [tilespmem:s18], [sflag:$0x2], $0x5000, $0x38;
	[tilespmem:$0x1F9A0] =	vst v63  }
0x62: {  	_ =	swait.ge [sflag:s16], $0x5000  }
0x63: {  	[sflag:s16] =	ssyncset.done $0x0  }
0x64: {  	s24 =	simm.s32 $0x0;
	s23 =	simm.s32 $0x80;
	[sflag:s16] =	ssyncadd.s32 $0xFFFFB000  }
.LBB2_11:
0x65: {  	p0 =	sne.s32 s23, $0x13F80;
	[tilespmem:s24+$0xFA0] =	vst v1;
	s25 =	smov.u32 s23;
	s23 =	sadd.s32 $0x80, s23  }
.Ltmp4:
0x66: {  	[tilespmem:s24+$0xFB0] =	vst v1;
	(pc) =	sbr.rel @p0 .LBB2_11-.Ltmp4, $2  }
0x67: {  	_ =	sdelay $0x2  }
0x68: {  	s24 =	sshra.s32 s25, $0x2  }
0x69: {  	[tilespmem:s24+$0xFA0] =	vst v1  }
0x6a: {  	[tilespmem:s24+$0xFB0] =	vst v1;
	s22 =	sadd.s32 $0x1, s22  }
0x6b: {  	[spmem:s11] =	stream.linear.scatter [tilespmem:s18], [sflag:$0x2], $0x5000, $0x38;
	[tilespmem:$0x1F9A0] =	vst v63  }
0x6c: {  	p0 =	sne.s32 s22, $0x9  }
.Ltmp5:
0x6d: {  	_ =	swait.ge [sflag:s16], $0x5000;
	(pc) =	sbr.rel @p0 .LBB2_4-.Ltmp5, $4  }
0x6e: {  	[sflag:s16] =	ssyncset.done $0x0  }
0x6f: {  	[sflag:s16] =	ssyncadd.s32 $0xFFFFB000  }
0x70: {  	[bflag:$0x0] =	sbarrier.arrive $0xFFFF  }
0x71: {  	s23 =	simm.s32 $0x0  }
0x72: {  	s22 =	simm.s32 $0x0  }
.LBB2_14:
0x73: {  	s24 =	smul.u32 $0x7D0, s22;
	_ =	sdelay $0x1  }
0x74: {  	s24 =	sadd.s32 s12, s24  }
0x75: {  	s24 =	sshrl.u32 s24, $0x3  }
0x76: {  	s25 =	sadd.s32 s1, s24  }
0x77: {  	[tilespmem:s23], [sflag:$0x2] =	stream.linear.gather [hbm4b:s25+s23], $0x7D0, $0x38;
	[tilespmem:$0x1F9A0] =	vst v63  }
0x78: {  	_ =	swait.ge [sflag:s16], $0x7D0  }
0x79: {  	[sflag:s16] =	ssyncset.done $0x0  }
0x7a: {  	s24 =	sadd.s32 s3, s24;
	[sflag:s16] =	ssyncadd.s32 $0xFFFFF830  }
0x7b: {  	[tilespmem:s19], [sflag:$0x2] =	stream.linear.gather [hbm4b:s24+s23], $0x7D0, $0x38;
	[tilespmem:$0x1F9A0] =	vst v63  }
0x7c: {  	_ =	swait.ge [sflag:s16], $0x7D0  }
0x7d: {  	[sflag:s16] =	ssyncset.done $0x0  }
0x7e: {  	s25 =	simm.s32 $0x40;
	s24 =	simm.s32 $0x0;
	[sflag:s16] =	ssyncadd.s32 $0xFFFFF830  }
.LBB2_15:
0x7f: {  	p0 =	sne.s32 s25, $0x1F00;
	v2 =	vld [tilespmem:s24+$0x0];
	_ =	sdelay $0x1  }
.Ltmp6:
0x80: {  	(pc) =	sbr.rel @p0 .LBB2_15-.Ltmp6, $3  }
0x81: {  	_ =	sdelay $0x1  }
0x82: {  	v2 =	vadd.s32 v0, v2  }
0x83: {  	[tilespmem:s24+$0x0] =	vst v2;
	s24 =	sshra.s32 s25, $0x2;
	s25 =	sadd.s32 $0x40, s25  }
0x84: {  	v2 =	vld [tilespmem:s24+$0x0];
	_ =	sdelay $0x4  }
0x85: {  	v2 =	vadd.s32 v0, v2  }
0x86: {  	[tilespmem:s24+$0x0] =	vst v2  }
0x87: {  	[tilespmem:s18], [sflag:$0x1] =	stream.indirect.gather [hbm4b:s6+s19], $0x20, s5, s19, $0xb8;
	[tilespmem:$0x1F9A0] =	vst v63  }
0x88: {  	s22 =	sadd.s32 $0x1, s22;
	_ =	swait.ge [sflag:s20], $0xFA00  }
0x89: {  	p0 =	sne.s32 s22, $0x5;
	[sflag:s20] =	ssyncset.done $0x0  }
.Ltmp7:
0x8a: {  	[sflag:s20] =	ssyncadd.s32 $0xFFFF0600;
	(pc) =	sbr.rel @p0 .LBB2_14-.Ltmp7, $4  }
0x8b: {  	[spmem:s4] =	stream.indirect.scatter.add.f32 [tilespmem:s18], [sflag:$0x2], $0x20, s19, s19, $0xb8;
	[tilespmem:$0x1F9A0] =	vst v63  }
0x8c: {  	_ =	swait.ge [sflag:s16], $0xFA00  }
0x8d: {  	[sflag:s16] =	ssyncset.done $0x0  }
0x8e: {  	[sflag:s16] =	ssyncadd.s32 $0xFFFF0600  }
0x8f: {  	s21 =	sadd.s32 $0x1, s21  }
0x90: {  	s22 =	sshll.u32 s0, $0x6;
	[bflag:$0x0] =	sbarrier.arrive $0xFFFF;
	p0 =	sne.s32 s21, s14  }
.Ltmp8:
0x91: {  	s23 =	sshrl.u32 s11, $0x3;
	s22 =	sor.u32 $0x1C02, s22;
	(pc) =	sbr.rel @p0 .LBB2_1-.Ltmp8, $4  }
0x92: {  	[hbm:s13], [sflag:s22] =	dma.local [spmem:s23], $0xA00  }
0x93: {  	_ =	swait.ge [sflag:s16], $0xA00  }
0x94: {  	[sflag:s16] =	ssyncset.done $0x0  }
0x95: {  	[sflag:s16] =	ssyncadd.s32 $0xFFFFF600  }
0x96: {  	_ =	sfence.sel $0x180000  }
0x97: {  	[bflag:$0x0] =	sbarrier.arrive $0xFFFF  }
0x98: {  	p0 =	sne.s32 s0, $0x0;
	_ =	strace $0x9000004A  }
0x99: {  	s0 =	sadd.s32 @!p0 $0x100000, s2;
	[bflag:$0x2] =	sbarrier.arrive $0xFFFF  }
0x9a: {  	[sflag:s0] =	ssyncadd.tile.s32 @!p0 $0x1;
	_ =	shalt  }
.Lfunc_end2:
_tile_overlayer_lowered:
.L_overlay_start_2:
0x9b: {  	(tag) =	ssettag $0x2  }
0x9c: {  	s0 =	rddreg [dreg:$0x0];
	s2 =	stileid.u32  }
0x9d: {  	s1 =	rddreg [dreg:$0x1];
	p0 =	sne.s32 s2, $0x0  }
0x9e: {  	s3 =	rddreg [dreg:$0x2];
	[bflag:$0x3] =	sbarrier.arrive $0xFFFF;
	s2 =	simm.s32 @!p0 $0x1C02  }
0x9f: {  	[timem:s3], [sflag:s2] =	dma.local @!p0 [hbm:s0], s1  }
0xa0: {  	s0 =	simm.s32 @!p0 $0x2  }
0xa1: {  	_ =	swait.ge @!p0 [sflag:s0], s1  }
0xa2: {  	s1 =	ssub.s32 @!p0 $0x0, s1;
	[sflag:s0] =	ssyncset.done @!p0 $0x0  }
0xa3: {  	[sflag:s0] =	ssyncadd.s32 @!p0 s1  }
0xa4: {  	[bflag:$0x3] =	sbarrier.arrive $0xFFFF  }
0xa5: {  	_ =	shalt  }

// kernel: kernel.7.cloned.1.call-start
scs
__scs_entry_jumppad:
0x0: {  	(pc) =	sbr.rel $0x88, $3  }
0x1: {  	(tag) =	ssettag $0x0;
	lr =	simm.s32 $0x1  }
0x2: {  	[smem:$0x3F97] =	sst lr;
	_ =	strace $0xD0000000  }
0x3: {  	_ = 	snop  }
0x4: {  	_ = 	snop  }
0x5: {  	_ = 	snop  }
0x6: {  	_ = 	snop  }
0x7: {  	_ = 	snop  }
__scs_overlays_trampoline_lowered:
0x8: {  	[smem:$0x3FA6] =	sst s0  }
0x9: {  	[smem:$0x3FA7] =	sst s1  }
0xa: {  	[smem:$0x3FA8] =	sst s2  }
0xb: {  	[smem:$0x3FA9] =	sst s3  }
0xc: {  	[smem:$0x3FAA] =	sst s4  }
0xd: {  	[smem:$0x3FAB] =	sst s5  }
0xe: {  	[smem:$0x3FAC] =	sst s6  }
0xf: {  	[smem:$0x3FAD] =	sst s7  }
0x10: {  	[smem:$0x3FAE] =	sst s8  }
0x11: {  	[smem:$0x3FAF] =	sst s9;
	s0 =	simm.s32 @!p0 $0x0  }
0x12: {  	s1 =	sld [smem:$0x3F95];
	s0 =	simm.s32 @p0 $0x1  }
0x13: {  	[smem:$0x3FB0] =	sst s0;
	s0 =	simm.s32 @!p1 $0x0  }
0x14: {  	s2 =	sld [smem:$0x3F94];
	s0 =	simm.s32 @p1 $0x1  }
0x15: {  	[smem:$0x3FB1] =	sst s0;
	s0 =	simm.s32 @!p2 $0x0  }
0x16: {  	s3 =	sld [smem:$0x3FDB];
	s0 =	simm.s32 @p2 $0x1  }
0x17: {  	s4 =	simm.s32 $0x1BF5;
	[smem:$0x3FB3] =	sst s0  }
0x18: {  	s0 =	sld [smem:$0x3F96];
	_ =	swait.ge [sflag:s4], $0x0  }
0x19: {  	s7 =	sld [smem:$0x3F97]  }
0x1a: {  	s8 =	sadd.s32 $0xFFFFE003, lr  }
0x1b: {  	s9 =	sadd.s32 $0xFFFFFEF7, lr;
	s5 =	simm.s32 $0xFFFFFFFF;
	p2 =	slt.u32 s8, $0xFFFFF086  }
0x1c: {  	p1 =	slt.u32 s9, $0xF7A;
	s5 =	simm.s32 @!p2 $0x0  }
0x1d: {  	s5 =	simm.s32 @p1 $0x1;
	p0 =	seq.s32 s7, s2  }
0x1e: {  	s7 =	smul.u32 @!p0 $0xF7A, s2;
	p2 =	seq.s32 @!p0 s5, $0x0  }
0x1f: {  	s9 =	smul.u32 $0xF7A, s1;
	s8 =	simm.s32 @!p0 $0x1BF5;
	p2 =	por !p2, p0  }
0x20: {  	[sflag:s8] =	ssyncset.s32 @!p0 $0xFFFFF086;
	s6 =	sadd.s32 @!p0 s3, s7;
	s7 =	simm.s32 @!p0 $0x108  }
0x21: {  	s3 =	sadd.s32 s3, s9;
	s6 =	sadd.s32 @!p0 $0x88, s6;
	s7 =	simm.s32 @p2 $0x1082  }
0x22: {  	[simem:s7], [sflag:s8] =	dma.local @!p0 [hbm:s6], $0xF7A  }
0x23: {  	s9 =	sor.u32 $0xD0000000, s2;
	s6 =	simm.s32 $0x108;
	_ =	swait.ge @!p0 [sflag:s8], $0x0  }
0x24: {  	s3 =	sadd.s32 $0x88, s3;
	s6 =	simm.s32 @!p1 $0x1082;
	[sflag:s4] =	ssyncset.s32 $0xFFFFF086  }
0x25: {  	[simem:s6], [sflag:s4] =	dma.local [hbm:s3], $0xF7A  }
0x26: {  	[smem:$0x3F97] =	sst s1;
	(tag) =	ssettag s2;
	_ =	strace s9  }
0x27: {  	s1 =	sld [smem:$0x3FA7]  }
0x28: {  	s2 =	sld [smem:$0x3FA8]  }
0x29: {  	s4 =	sld [smem:$0x3FAA]  }
0x2a: {  	p0 =	seq.s32 s5, $0x0;
	s5 =	sld [smem:$0x3FAB]  }
0x2b: {  	s6 =	sld [smem:$0x3FAC]  }
0x2c: {  	s7 =	sld [smem:$0x3FAD]  }
0x2d: {  	s3 =	simm.s32 $0x108;
	s8 =	sld [smem:$0x3FAE]  }
0x2e: {  	s3 =	simm.s32 @!p0 $0x1082;
	s9 =	sld [smem:$0x3FAF]  }
0x2f: {  	lr =	sadd.s32 s0, s3;
	s0 =	sld [smem:$0x3FA6]  }
0x30: {  	s3 =	sld [smem:$0x3FA9]  }
0x31: {  	[smem:$0x3FB2] =	sst s10  }
0x32: {  	s10 =	sld [smem:$0x3FB0];
	_ =	sdelay $0x3  }
0x33: {  	p0 =	seq.s32 s10, $0x1;
	s10 =	sld [smem:$0x3FB2];
	_ =	sdelay $0x3  }
0x34: {  	[smem:$0x3FB2] =	sst s10  }
0x35: {  	s10 =	sld [smem:$0x3FB1];
	_ =	sdelay $0x3  }
0x36: {  	p1 =	seq.s32 s10, $0x1;
	s10 =	sld [smem:$0x3FB2];
	_ =	sdelay $0x3  }
0x37: {  	[smem:$0x3FB2] =	sst s10  }
0x38: {  	s10 =	sld [smem:$0x3FB3]  }
0x39: {  	_ = 	snop;
	(pc) =	sbr.ind lr, $3  }
0x3a: {  	_ = 	snop  }
0x3b: {  	_ = 	snop  }
0x3c: {  	p2 =	seq.s32 s10, $0x1;
	s10 =	sld [smem:$0x3FB2]  }
0x3d: {  	_ =	shalt  }
0x3e: {  	_ =	shalt  }
0x3f: {  	_ =	shalt  }
0x40: {  	_ =	shalt  }
0x41: {  	_ =	shalt  }
0x42: {  	_ =	shalt  }
0x43: {  	_ =	shalt  }
0x44: {  	_ =	shalt  }
0x45: {  	_ =	shalt  }
0x46: {  	_ =	shalt  }
0x47: {  	_ =	shalt  }
0x48: {  	_ =	shalt  }
0x49: {  	_ =	shalt  }
0x4a: {  	_ =	shalt  }
0x4b: {  	_ =	shalt  }
0x4c: {  	_ =	shalt  }
0x4d: {  	_ =	shalt  }
0x4e: {  	_ =	shalt  }
0x4f: {  	_ =	shalt  }
0x50: {  	_ =	shalt  }
0x51: {  	_ =	shalt  }
0x52: {  	_ =	shalt  }
0x53: {  	_ =	shalt  }
0x54: {  	_ =	shalt  }
0x55: {  	_ =	shalt  }
0x56: {  	_ =	shalt  }
0x57: {  	_ =	shalt  }
0x58: {  	_ =	shalt  }
0x59: {  	_ =	shalt  }
0x5a: {  	_ =	shalt  }
0x5b: {  	_ =	shalt  }
0x5c: {  	_ =	shalt  }
0x5d: {  	_ =	shalt  }
0x5e: {  	_ =	shalt  }
0x5f: {  	_ =	shalt  }
0x60: {  	_ =	shalt  }
0x61: {  	_ =	shalt  }
0x62: {  	_ =	shalt  }
0x63: {  	_ =	shalt  }
0x64: {  	_ =	shalt  }
0x65: {  	_ =	shalt  }
0x66: {  	_ =	shalt  }
0x67: {  	_ =	shalt  }
0x68: {  	_ =	shalt  }
0x69: {  	_ =	shalt  }
0x6a: {  	_ =	shalt  }
0x6b: {  	_ =	shalt  }
0x6c: {  	_ =	shalt  }
0x6d: {  	_ =	shalt  }
0x6e: {  	_ =	shalt  }
0x6f: {  	_ =	shalt  }
0x70: {  	_ =	shalt  }
0x71: {  	_ =	shalt  }
0x72: {  	_ =	shalt  }
0x73: {  	_ =	shalt  }
0x74: {  	_ =	shalt  }
0x75: {  	_ =	shalt  }
0x76: {  	_ =	shalt  }
0x77: {  	_ =	shalt  }
0x78: {  	_ =	shalt  }
0x79: {  	_ =	shalt  }
0x7a: {  	_ =	shalt  }
0x7b: {  	_ =	shalt  }
0x7c: {  	_ =	shalt  }
0x7d: {  	_ =	shalt  }
0x7e: {  	_ =	shalt  }
0x7f: {  	_ =	shalt  }
0x80: {  	_ =	shalt  }
0x81: {  	_ =	shalt  }
0x82: {  	_ =	shalt  }
0x83: {  	_ =	shalt  }
0x84: {  	_ =	shalt  }
0x85: {  	_ =	shalt  }
0x86: {  	_ =	shalt  }
0x87: {  	_ =	shalt  }
.Lfunc_end0:
.L_simem_size_0:
called_computation_lowered:
.L_overlay_start_0:
0x88: {  	s2 =	sld [smem:$0x3FD9]  }
0x89: {  	s3 =	sld [smem:$0x3FFE];
	_ =	sdelay $0x1  }
0x8a: {  	s1 =	srdreg.scid  }
0x8b: {  	s0 =	sand.u32 $0x1, s1  }
0x8c: {  	s14 =	sshll.u32 s0, $0xA;
	s2 =	sadd.s32 s3, s2  }
0x8d: {  	s2 =	sadd.s32 s2, s14  }
0x8e: {  	[smem:$0x3FBE] =	sst s2  }
0x8f: {  	_ = 	snop  }
0x90: {  	s2 =	sld [smem:$0x3FD0];
	_ =	sdelay $0x2  }
0x91: {  	s15 =	simm.s32 $0xA;
	s4 =	simm.s32 $0x10  }
0x92: {  	[smem:s4], [sflag:s15] =	dma.local [hbm:s2], $0x1  }
0x93: {  	_ =	swait.eq [sflag:s15], $0x1  }
0x94: {  	[sflag:s15] =	ssyncset.done $0x0  }
0x95: {  	[sflag:s15] =	ssyncadd.s32 $0xFFFFFFFF  }
0x96: {  	s16 =	sld [smem:$0x10];
	(tm) =	ssettm $0x1  }
0x97: {  	s17 =	sld [smem:$0x3FFB];
	_ =	sdelay $0x3  }
0x98: {  	_ =	strace s17  }
0x99: {  	s3 =	sld [smem:$0x3FFC];
	_ =	sdelay $0x3  }
0x9a: {  	_ =	strace s3  }
0x9b: {  	s3 =	sld [smem:$0x3FFD];
	_ =	sdelay $0x3  }
0x9c: {  	_ =	strace s3  }
0x9d: {  	_ =	strace $0x8FFFFFFF  }
0x9e: {  	s18 =	sld [smem:$0x3FDB];
	_ =	sdelay $0x1  }
0x9f: {  	s19 =	simm.s32 $_scs_section_size  }
0xa0: {  	s5 =	simm.s32 $_size__tile_overlayer_lowered;
	s6 =	simm.s32 $_tile_overlayer_lowered  }
0xa1: {  	s22 =	simm.s32 $0x1BFF;
	s21 =	sshll.u32 s6, $0x1;
	s3 =	sadd.s32 s19, s18  }
0xa2: {  	s7 =	simm.s32 $0x0;
	s20 =	sshll.u32 s5, $0x1;
	s5 =	sadd.s32 s21, s3  }
0xa3: {  	[timem:s7], [sflag:s22] =	dma.local [hbm:s5], s20  }
0xa4: {  	_ =	swait.ge [sflag:s22], s20  }
0xa5: {  	s4 =	ssub.s32 $0x0, s20;
	[sflag:s22] =	ssyncset.done $0x0  }
0xa6: {  	[sflag:s22] =	ssyncadd.s32 s4;
	_ =	sdelay $0x1  }
0xa7: {  	s23 =	simm.s32 $0x1B8B  }
0xa8: {  	_ =	swait.ge [sflag:s23], $0x1  }
0xa9: {  	[sflag:s23] =	ssyncset.done $0x0  }
0xaa: {  	s25 =	simm.s32 $0x1B8E;
	s24 =	sld [smem:$0x3FFE];
	[sflag:s23] =	ssyncadd.s32 $0xFFFFFFFF  }
0xab: {  	s26 =	simm.s32 $execute0_lowered;
	[smem:$0x3FD2] =	sst s25  }
0xac: {  	s5 =	sshll.u32 s26, $0x1;
	_ =	strace $0x80000046;
	[dreg:$0x1] =	wrdreg $0xFFFFFFFF  }
0xad: {  	s28 =	simm.s32 $_size_execute0_lowered;
	s3 =	sadd.s32 s3, s5;
	[dreg:$0x0] =	wrdreg $0x0  }
0xae: {  	s5 =	sshll.u32 s28, $0x1;
	[dreg:$0x2] =	wrdreg s3  }
0xaf: {  	[dreg:$0x3] =	wrdreg s5  }
0xb0: {  	[dreg:$0x4] =	wrdreg $0xC0  }
0xb1: {  	_ =	task [dreg:s7], $0x5FFFF  }
0xb2: {  	[dreg:$0x1] =	wrdreg $0xFFFFFFFF  }
0xb3: {  	[dreg:$0x0] =	wrdreg $0x60  }
0xb4: {  	[dreg:$0x2] =	wrdreg s16  }
0xb5: {  	[dreg:$0x3] =	wrdreg s24  }
0xb6: {  	[dreg:$0x4] =	wrdreg $0x12200  }
0xb7: {  	[dreg:$0x5] =	wrdreg $0x9  }
0xb8: {  	_ =	task.clear_ibuf [dreg:s7], $0x6FFFF;
	_ =	strace $0x90000046  }
0xb9: {  	s29 =	simm.s32 $0x9;
	_ =	strace $0x80000048  }
0xba: {  	_ =	swait.ge [sflag:s29], $0x1  }
0xbb: {  	[sflag:s29] =	ssyncadd.s32 $0xFFFFFFFF  }
0xbc: {  	_ =	strace $0x90000048  }
0xbd: {  	_ =	sfence  }
0xbe: {  	s30 =	sld [smem:$0x0];
	_ =	sdelay $0x2  }
0xbf: {  	s31 =	sshll.u32 s1, $0xD;
	s1 =	sshrl.u32 s1, $0x2  }
0xc0: {  	s3 =	sand.u32 $0x4000, s31;
	s1 =	sadd.s32 s1, s30  }
0xc1: {  	s0 =	sor.u32 s3, s0;
	s1 =	sshll.u32 s1, $0x11  }
0xc2: {  	s0 =	sor.u32 s1, s0  }
0xc3: {  	s0 =	sadd.s32 $0x8F2B, s0  }
0xc4: {  	[sflag:s0] =	ssyncadd.remote.s32 $0x1  }
0xc5: {  	_ =	sfence.sel $0xFFFF  }
0xc6: {  	[dreg:$0x0] =	wrdreg $0xFFFFFFFF;
	(pc) =	sbr.abs _section_cstart, $3  }
0xc7: {  	[dreg:$0x1] =	wrdreg $0xFFFFFFFF  }
0xc8: {  	_ =	task.clear_ibuf [dreg:s7], $0x2FFFF;
	_ =	strace $0x9FFFFFFF  }
0xc9: {  	(tm) =	ssettm $0x7FFFFFFF  }
tec
execute0_lowered:
.L_overlay_start_1:
0x0: {  	(tag) =	ssettag $0x1  }
0x1: {  	s6 =	rddreg [dreg:$0x0]  }
0x2: {  	s4 =	rddreg [dreg:$0x1]  }
0x3: {  	s2 =	rddreg [dreg:$0x2];
	s3 =	srdreg.scid  }
0x4: {  	s1 =	stileid.u32;
	s0 =	rddreg [dreg:$0x3];
	s12 =	simm.s32 $0xFA0  }
0x5: {  	s13 =	simm.s32 $0x1;
	s14 =	simm.s32 $0x7D0;
	s17 =	simm.s32 $0x0  }
0x6: {  	s5 =	sand.u32 $0x1, s3;
	s7 =	smul.u32 $0x280, s1;
	s3 =	simm.s32 $0x0  }
0x7: {  	s15 =	sshll.u32 s1, $0x6;
	s8 =	smul.u32 $0x2800, s5;
	s9 =	sshll.u32 s5, $0x4  }
0x8: {  	[smem:$0x7FF] =	sst s3;
	s5 =	ssub.s32 $0x2, s5;
	s9 =	sor.u32 s1, s9  }
0x9: {  	s15 =	sor.u32 $0x1C01, s15;
	s8 =	sadd.s32 s7, s8;
	s9 =	smul.u32 $0x2710, s9  }
0xa: {  	_ =	strace $0x80000047;
	s10 =	sshrl.u32 s5, $0x1;
	s8 =	sshrl.u32 s8, $0x3  }
0xb: {  	s10 =	ssub.s32 s5, s10;
	s8 =	sadd.s32 s8, s4;
	s9 =	sshrl.u32 s9, $0x3  }
0xc: {  	s4 =	sadd.s32 s7, s2;
	s7 =	smax.u32 s10, $0x1;
	s6 =	sadd.s32 s6, s9  }
0xd: {  	s5 =	sadd.s32 $0x9E00, s8;
	s16 =	sshrl.u32 s4, $0x3;
	s8 =	sadd.s32 $0xFA, s6  }
0xe: {  	v0 =	vimm.f32 $1.000000000e+00;
	v1 =	vimm.f32 $0.0e+00;
	s9 =	sadd.s32 $0x1F4, s6;
	s10 =	sadd.s32 $0x2EE, s6;
	s11 =	sadd.s32 $0x3E8, s6  }
.LBB2_1:
0xf: {  	s18 =	simm.s32 $0x40;
	s19 =	simm.s32 $0x0  }
.LBB2_2:
0x10: {  	p0 =	sne.s32 s18, $0x1F00;
	[tilespmem:s19+$0x7D0] =	vst v0;
	s19 =	smov.u32 s18;
	s18 =	sadd.s32 $0x40, s18  }
.Ltmp0:
0x11: {  	(pc) =	sbr.rel @p0 .LBB2_2-.Ltmp0, $2  }
0x12: {  	_ =	sdelay $0x2  }
0x13: {  	s19 =	sshra.s32 s19, $0x2  }
0x14: {  	[tilespmem:s19+$0x7D0] =	vst v0  }
0x15: {  	[tilespmem:$0xFA0] =	vst v1  }
0x16: {  	[tilespmem:$0xFB0] =	vst v1  }
0x17: {  	[tilespmem:$0xFC0] =	vst v1  }
0x18: {  	[tilespmem:$0xFD0] =	vst v1  }
0x19: {  	[tilespmem:$0xFE0] =	vst v1  }
0x1a: {  	[tilespmem:$0xFF0] =	vst v1  }
0x1b: {  	[tilespmem:$0x1000] =	vst v1  }
0x1c: {  	[tilespmem:$0x1010] =	vst v1  }
0x1d: {  	[tilespmem:$0x1020] =	vst v1  }
0x1e: {  	[tilespmem:$0x1030] =	vst v1  }
0x1f: {  	[tilespmem:$0x1040] =	vst v1  }
0x20: {  	[tilespmem:$0x1050] =	vst v1  }
0x21: {  	[tilespmem:$0x1060] =	vst v1  }
0x22: {  	[tilespmem:$0x1070] =	vst v1  }
0x23: {  	[tilespmem:$0x1080] =	vst v1  }
0x24: {  	[tilespmem:$0x1090] =	vst v1  }
0x25: {  	[tilespmem:$0x10A0] =	vst v1  }
0x26: {  	[tilespmem:$0x10B0] =	vst v1  }
0x27: {  	[tilespmem:$0x10C0] =	vst v1  }
0x28: {  	[tilespmem:$0x10D0] =	vst v1  }
0x29: {  	[tilespmem:$0x10E0] =	vst v1  }
0x2a: {  	[tilespmem:$0x10F0] =	vst v1  }
0x2b: {  	[tilespmem:$0x1100] =	vst v1  }
0x2c: {  	[tilespmem:$0x1110] =	vst v1  }
0x2d: {  	[tilespmem:$0x1120] =	vst v1  }
0x2e: {  	[tilespmem:$0x1130] =	vst v1  }
0x2f: {  	[tilespmem:$0x1140] =	vst v1  }
0x30: {  	[tilespmem:$0x1150] =	vst v1  }
0x31: {  	[tilespmem:$0x1160] =	vst v1  }
0x32: {  	[tilespmem:$0x1170] =	vst v1  }
0x33: {  	[tilespmem:$0x1180] =	vst v1  }
0x34: {  	[tilespmem:$0x1190] =	vst v1  }
0x35: {  	[tilespmem:$0x11A0] =	vst v1  }
0x36: {  	[tilespmem:$0x11B0] =	vst v1  }
0x37: {  	[tilespmem:$0x11C0] =	vst v1  }
0x38: {  	[tilespmem:$0x11D0] =	vst v1  }
0x39: {  	[tilespmem:$0x11E0] =	vst v1  }
0x3a: {  	[tilespmem:$0x11F0] =	vst v1  }
0x3b: {  	[tilespmem:$0x1200] =	vst v1  }
0x3c: {  	[tilespmem:$0x1210] =	vst v1  }
0x3d: {  	[spmem:s4] =	stream.linear.scatter [tilespmem:s12], [sflag:$0x1], $0x280, $0x38;
	[tilespmem:$0x14A0] =	vst v63  }
0x3e: {  	_ =	swait.ge [sflag:s13], $0x280  }
0x3f: {  	[sflag:s13] =	ssyncset.done $0x0  }
0x40: {  	[sflag:s13] =	ssyncadd.s32 $0xFFFFFD80  }
0x41: {  	[bflag:$0x0] =	sbarrier.arrive $0xFFFF  }
0x42: {  	[tilespmem:s3], [sflag:$0x1] =	stream.linear.gather [hbm4b:s6+s3], $0x7D0, $0x38;
	[tilespmem:$0x14A0] =	vst v63  }
0x43: {  	_ =	swait.ge [sflag:s13], $0x7D0  }
0x44: {  	[sflag:s13] =	ssyncset.done $0x0  }
0x45: {  	[sflag:s13] =	ssyncadd.s32 $0xFFFFF830  }
0x46: {  	[spmem:s2] =	stream.indirect.scatter.add.f32 [tilespmem:s14], [sflag:$0x1], $0x1, s3, s14, $0xb8;
	[tilespmem:$0x14A0] =	vst v63  }
0x47: {  	_ =	swait.ge [sflag:s13], $0x7D0  }
0x48: {  	[sflag:s13] =	ssyncset.done $0x0  }
0x49: {  	[sflag:s13] =	ssyncadd.s32 $0xFFFFF830  }
0x4a: {  	[tilespmem:s3], [sflag:$0x1] =	stream.linear.gather [hbm4b:s8+s3], $0x7D0, $0x38;
	[tilespmem:$0x14A0] =	vst v63  }
0x4b: {  	_ =	swait.ge [sflag:s13], $0x7D0  }
0x4c: {  	[sflag:s13] =	ssyncset.done $0x0  }
0x4d: {  	[sflag:s13] =	ssyncadd.s32 $0xFFFFF830  }
0x4e: {  	[spmem:s2] =	stream.indirect.scatter.add.f32 [tilespmem:s14], [sflag:$0x1], $0x1, s3, s14, $0xb8;
	[tilespmem:$0x14A0] =	vst v63  }
0x4f: {  	_ =	swait.ge [sflag:s13], $0x7D0  }
0x50: {  	[sflag:s13] =	ssyncset.done $0x0  }
0x51: {  	[sflag:s13] =	ssyncadd.s32 $0xFFFFF830  }
0x52: {  	[tilespmem:s3], [sflag:$0x1] =	stream.linear.gather [hbm4b:s9+s3], $0x7D0, $0x38;
	[tilespmem:$0x14A0] =	vst v63  }
0x53: {  	_ =	swait.ge [sflag:s13], $0x7D0  }
0x54: {  	[sflag:s13] =	ssyncset.done $0x0  }
0x55: {  	[sflag:s13] =	ssyncadd.s32 $0xFFFFF830  }
0x56: {  	[spmem:s2] =	stream.indirect.scatter.add.f32 [tilespmem:s14], [sflag:$0x1], $0x1, s3, s14, $0xb8;
	[tilespmem:$0x14A0] =	vst v63  }
0x57: {  	_ =	swait.ge [sflag:s13], $0x7D0  }
0x58: {  	[sflag:s13] =	ssyncset.done $0x0  }
0x59: {  	[sflag:s13] =	ssyncadd.s32 $0xFFFFF830  }
0x5a: {  	[tilespmem:s3], [sflag:$0x1] =	stream.linear.gather [hbm4b:s10+s3], $0x7D0, $0x38;
	[tilespmem:$0x14A0] =	vst v63  }
0x5b: {  	_ =	swait.ge [sflag:s13], $0x7D0  }
0x5c: {  	[sflag:s13] =	ssyncset.done $0x0  }
0x5d: {  	[sflag:s13] =	ssyncadd.s32 $0xFFFFF830  }
0x5e: {  	[spmem:s2] =	stream.indirect.scatter.add.f32 [tilespmem:s14], [sflag:$0x1], $0x1, s3, s14, $0xb8;
	[tilespmem:$0x14A0] =	vst v63  }
0x5f: {  	_ =	swait.ge [sflag:s13], $0x7D0  }
0x60: {  	[sflag:s13] =	ssyncset.done $0x0  }
0x61: {  	[sflag:s13] =	ssyncadd.s32 $0xFFFFF830  }
0x62: {  	[tilespmem:s3], [sflag:$0x1] =	stream.linear.gather [hbm4b:s11+s3], $0x7D0, $0x38;
	[tilespmem:$0x14A0] =	vst v63  }
0x63: {  	_ =	swait.ge [sflag:s13], $0x7D0  }
0x64: {  	[sflag:s13] =	ssyncset.done $0x0  }
0x65: {  	[sflag:s13] =	ssyncadd.s32 $0xFFFFF830  }
0x66: {  	[spmem:s2] =	stream.indirect.scatter.add.f32 [tilespmem:s14], [sflag:$0x1], $0x1, s3, s14, $0xb8;
	[tilespmem:$0x14A0] =	vst v63  }
0x67: {  	_ =	swait.ge [sflag:s13], $0x7D0  }
0x68: {  	s17 =	sadd.s32 $0x1, s17;
	[sflag:s13] =	ssyncset.done $0x0  }
0x69: {  	p0 =	sne.s32 s17, s7;
	[sflag:s13] =	ssyncadd.s32 $0xFFFFF830  }
.Ltmp1:
0x6a: {  	[bflag:$0x0] =	sbarrier.arrive $0xFFFF;
	(pc) =	sbr.rel @p0 .LBB2_1-.Ltmp1, $4  }
0x6b: {  	[hbm:s5], [sflag:s15] =	dma.local [spmem:s16], $0x50  }
0x6c: {  	_ =	swait.ge [sflag:s13], $0x50  }
0x6d: {  	[sflag:s13] =	ssyncset.done $0x0  }
0x6e: {  	[sflag:s13] =	ssyncadd.s32 $0xFFFFFFB0  }
0x6f: {  	_ =	sfence.sel $0x180000  }
0x70: {  	[bflag:$0x0] =	sbarrier.arrive $0xFFFF  }
0x71: {  	p0 =	sne.s32 s1, $0x0;
	_ =	strace $0x90000047  }
0x72: {  	s0 =	sadd.s32 @!p0 $0x100000, s0;
	[bflag:$0x2] =	sbarrier.arrive $0xFFFF  }
0x73: {  	[sflag:s0] =	ssyncadd.tile.s32 @!p0 $0x1;
	_ =	shalt  }
.Lfunc_end2:
_tile_overlayer_lowered:
.L_overlay_start_2:
0x74: {  	(tag) =	ssettag $0x2  }
0x75: {  	s0 =	rddreg [dreg:$0x0];
	s2 =	stileid.u32  }
0x76: {  	s1 =	rddreg [dreg:$0x1];
	p0 =	sne.s32 s2, $0x0  }
0x77: {  	s3 =	rddreg [dreg:$0x2];
	[bflag:$0x3] =	sbarrier.arrive $0xFFFF;
	s2 =	simm.s32 @!p0 $0x1C01  }
0x78: {  	[timem:s3], [sflag:s2] =	dma.local @!p0 [hbm:s0], s1  }
0x79: {  	s0 =	simm.s32 @!p0 $0x1  }
0x7a: {  	_ =	swait.ge @!p0 [sflag:s0], s1  }
0x7b: {  	s1 =	ssub.s32 @!p0 $0x0, s1;
	[sflag:s0] =	ssyncset.done @!p0 $0x0  }
0x7c: {  	[sflag:s0] =	ssyncadd.s32 @!p0 s1  }
0x7d: {  	[bflag:$0x3] =	sbarrier.arrive $0xFFFF  }
0x7e: {  	_ =	shalt  }

</sc_bundles>
